<compile_context>
chip_gen: v7x
topology: tpu7x:2x2x1
jax: 0.10.2.dev20260603
libtpu: 0.0.44.dev20260713+nightly
codegen_flags: <defaults>
</compile_context>

<pallas_src>
import functools

import jax
import jax.numpy as jnp
from jax import lax
from jax.experimental import pallas as pl
from jax.experimental.pallas import tpu as pltpu
from jax.experimental.pallas import tpu_sc as plsc

_NC = 2
_NS = 16
_L = 16
_NW = _NC * _NS
_NBUF = 4


def _stage1_body(tbl, out, *refs, rpw, chunk):
    bufs = refs[:_NBUF]
    pres = refs[_NBUF]
    sems = refs[_NBUF + 1:]
    cid = lax.axis_index("c")
    sid = lax.axis_index("s")
    wid = sid * _NC + cid
    base = wid * rpw
    nchunk = rpw // chunk

    pres[...] = jnp.zeros((_L,), jnp.float32)
    ones = jnp.ones((_L,), jnp.float32)
    iota = lax.iota(jnp.int32, _L)
    zero = jnp.zeros((_L,), jnp.int32)

    def copy_in(ch, buf, sem):
        src = tbl.at[pl.ds(base + ch * chunk, chunk), pl.ds(32, 16)]
        return pltpu.make_async_copy(src, buf, sem)

    def consume(buf):
        def blk(k, carry):
            ridx = k * _L + iota
            mi_x = plsc.load_gather(buf, [ridx, zero])
            su_x = plsc.load_gather(buf, [ridx, zero + 1])
            mi_y = plsc.load_gather(buf, [ridx, zero + 2])
            su_y = plsc.load_gather(buf, [ridx, zero + 3])
            dx = jnp.abs(su_x - mi_x)
            dy = jnp.abs(su_y - mi_y)
            gx = su_x > mi_x
            gy = su_y > mi_y
            act = jnp.where(dx < 22, jnp.where(gx, 4, 3), 1)
            act = jnp.where(dx > 24, jnp.where(gx, 3, 4), act)
            act = jnp.where(dy > 2, jnp.where(gy, 5, 2), act)
            plsc.store_scatter(pres, [act], ones)
            return carry

        lax.fori_loop(0, chunk // _L, blk, 0)

    ngroup = nchunk // _NBUF
    for b in range(_NBUF):
        copy_in(b, bufs[b], sems[b]).start()

    def group(g, carry):
        for b in range(_NBUF):
            ch = g * _NBUF + b
            copy_in(ch, bufs[b], sems[b]).wait()
            consume(bufs[b])
            copy_in(ch + _NBUF, bufs[b], sems[b]).start()
        return carry

    lax.fori_loop(0, ngroup - 1, group, 0)
    for b in range(_NBUF):
        ch = (ngroup - 1) * _NBUF + b
        copy_in(ch, bufs[b], sems[b]).wait()
        consume(bufs[b])

    pltpu.sync_copy(pres, out.at[wid, pl.ds(0, _L)])


def _stage2_body(m_ref, o_ref):
    o_ref[...] = jnp.max(m_ref[...][:, :6], axis=0, keepdims=True)


@jax.jit
def kernel(ram):
    n = ram.shape[0]
    rpw = n // _NW
    chunk = min(rpw, 256)

    mesh = plsc.VectorSubcoreMesh(core_axis_name="c", subcore_axis_name="s")
    stage1 = pl.kernel(
        functools.partial(_stage1_body, rpw=rpw, chunk=chunk),
        out_type=jax.ShapeDtypeStruct((_NW, 128), jnp.float32),
        mesh=mesh,
        scratch_types=(
            [pltpu.VMEM((chunk, _L), jnp.int32) for _ in range(_NBUF)]
            + [pltpu.VMEM((_L,), jnp.float32)]
            + [pltpu.SemaphoreType.DMA for _ in range(_NBUF)]
        ),
        compiler_params=pltpu.CompilerParams(
            needs_layout_passes=False,
            use_tc_tiling_on_sc=False,
        ),
    )
    masks = stage1(ram)

    return pl.pallas_call(
        _stage2_body,
        out_shape=jax.ShapeDtypeStruct((1, 6), jnp.float32),
    )(masks)

# --- scband reference (transcript-rebuilt; emitter-appended) ---
"""Pipeline reference for scband-stupid-net-80427557584949 (READ-ONLY COPY).

The authoritative reference and input builder live on the scoring server;
editing this copy changes nothing except your own understanding.
"""

import jax, jax.numpy as jnp
import numpy as np


def setup_inputs(seed: int = 0) -> dict:
    key = jax.random.key(seed)
    ram = jax.random.randint(key, (262144, 128), 0, 256, dtype=jnp.int32)
    return {"ram": ram}


def reference(ram):
    mi_x = ram[:, 32].astype(jnp.float32)
    mi_y = ram[:, 34].astype(jnp.float32)
    su_x = ram[:, 33].astype(jnp.float32)
    su_y = ram[:, 35].astype(jnp.float32)
    dist_x = jnp.abs(su_x - mi_x)
    dist_y = jnp.abs(su_y - mi_y)
    cond_y = dist_y > 2
    act_y = jnp.where(su_y > mi_y, 5, 2)
    cond_x = dist_x > 24
    act_x = jnp.where(su_x > mi_x, 3, 4)
    cond_x_close = dist_x < 22
    act_x_close = jnp.where(su_x > mi_x, 4, 3)
    action = jnp.full((ram.shape[0],), 1, dtype=jnp.int32)
    action = jnp.where(cond_x_close, act_x_close, action)
    action = jnp.where(cond_x, act_x, action)
    action = jnp.where(cond_y, act_y, action)
    logits = jnp.zeros((1, 6), dtype=jnp.float32)
    logits = logits.at[0, action].set(1.0)
    return logits

if __name__ == "__main__":
    import jax
    _d = setup_inputs()
    print(jax.jit(kernel)(*tuple(_d.values())))

</pallas_src>

<mosaic_0001>
#map = affine_map<(d0, d1) -> (0, 0)>
module attributes {stable_mosaic.version = 14 : i64} {
  func.func @_stage1_body(%arg0: i32, %arg1: i32, %arg2: memref<262144x128xi32, #tpu.memory_space<hbm>>, %arg3: memref<32x128xf32, #tpu.memory_space<hbm>>, %arg4: memref<256x16xi32, #tpu.memory_space<vmem>>, %arg5: memref<256x16xi32, #tpu.memory_space<vmem>>, %arg6: memref<256x16xi32, #tpu.memory_space<vmem>>, %arg7: memref<256x16xi32, #tpu.memory_space<vmem>>, %arg8: memref<16xf32, #tpu.memory_space<vmem>>, %arg9: memref<!tpu.dma_semaphore, #tpu.memory_space<semaphore_mem>>, %arg10: memref<!tpu.dma_semaphore, #tpu.memory_space<semaphore_mem>>, %arg11: memref<!tpu.dma_semaphore, #tpu.memory_space<semaphore_mem>>, %arg12: memref<!tpu.dma_semaphore, #tpu.memory_space<semaphore_mem>>) attributes {dimension_semantics = [#tpu.dimension_semantics<core_parallel>, #tpu.dimension_semantics<subcore_parallel>], iteration_bounds = array<i64: 2, 16>, scalar_prefetch = 0 : i64, scratch_operands = 9 : i64, tpu.core_type = #tpu.core_type<sc_vector_subcore>, window_params = [{transform_indices = #map}, {transform_indices = #map}]} {
    %mul3A = arith.constant 2 : i32
    %mul3A_0 = arith.muli %arg1, %mul3A : i32
    %add3A = arith.addi %mul3A_0, %arg0 : i32
    %mul3A_1 = arith.constant 8192 : i32
    %mul3A_2 = arith.muli %add3A, %mul3A_1 : i32
    %broadcast_in_dim3A = arith.constant 0.000000e+00 : f32
    %broadcast_in_dim3A_3 = vector.broadcast %broadcast_in_dim3A : f32 to vector<16xf32>
    %swap3A = arith.constant 0 : index
    %swap3A_4 = tpu.vector_load %arg8[%swap3A] {strides = array<i32>} : memref<16xf32, #tpu.memory_space<vmem>>, vector<16xf32>,
    tpu.vector_store %arg8[%swap3A], %broadcast_in_dim3A_3 {strides = array<i32>} : memref<16xf32, #tpu.memory_space<vmem>>, vector<16xf32>,
    %broadcast_in_dim3A_5 = arith.constant 1.000000e+00 : f32
    %broadcast_in_dim3A_6 = vector.broadcast %broadcast_in_dim3A_5 : f32 to vector<16xf32>
    %iota3A = tpu.iota {dimensions = array<i32: 0>} : vector<16xi32>
    %broadcast_in_dim3A_7 = arith.constant 0 : i32
    %broadcast_in_dim3A_8 = vector.broadcast %broadcast_in_dim3A_7 : i32 to vector<16xi32>
    %add3A_9 = arith.constant 0 : i32
    %add3A_10 = arith.addi %mul3A_2, %add3A_9 : i32
    %dma_start3A = arith.constant 32 : i32
    %dma_start3A_11 = tpu.memref_slice %arg2[%add3A_10, %dma_start3A] : memref<262144x128xi32, #tpu.memory_space<hbm>> -> memref<256x16xi32, #tpu.memory_space<hbm>>
    %dma_start3A_12 = arith.constant 32 : i32
    %dma_start3A_13 = tpu.memref_slice %arg2[%add3A_10, %dma_start3A_12] : memref<262144x128xi32, #tpu.memory_space<hbm>> -> memref<256x16xi32, #tpu.memory_space<hbm>>
    tpu.enqueue_dma source(%dma_start3A_13 : memref<256x16xi32, #tpu.memory_space<hbm>>) target(%arg4 : memref<256x16xi32, #tpu.memory_space<vmem>>) target_semaphore(%arg9 : memref<!tpu.dma_semaphore, #tpu.memory_space<semaphore_mem>>)
    %add3A_14 = arith.constant 256 : i32
    %add3A_15 = arith.addi %mul3A_2, %add3A_14 : i32
    %dma_start3A_16 = arith.constant 32 : i32
    %dma_start3A_17 = tpu.memref_slice %arg2[%add3A_15, %dma_start3A_16] : memref<262144x128xi32, #tpu.memory_space<hbm>> -> memref<256x16xi32, #tpu.memory_space<hbm>>
    %dma_start3A_18 = arith.constant 32 : i32
    %dma_start3A_19 = tpu.memref_slice %arg2[%add3A_15, %dma_start3A_18] : memref<262144x128xi32, #tpu.memory_space<hbm>> -> memref<256x16xi32, #tpu.memory_space<hbm>>
    tpu.enqueue_dma source(%dma_start3A_19 : memref<256x16xi32, #tpu.memory_space<hbm>>) target(%arg5 : memref<256x16xi32, #tpu.memory_space<vmem>>) target_semaphore(%arg10 : memref<!tpu.dma_semaphore, #tpu.memory_space<semaphore_mem>>)
    %add3A_20 = arith.constant 512 : i32
    %add3A_21 = arith.addi %mul3A_2, %add3A_20 : i32
    %dma_start3A_22 = arith.constant 32 : i32
    %dma_start3A_23 = tpu.memref_slice %arg2[%add3A_21, %dma_start3A_22] : memref<262144x128xi32, #tpu.memory_space<hbm>> -> memref<256x16xi32, #tpu.memory_space<hbm>>
    %dma_start3A_24 = arith.constant 32 : i32
    %dma_start3A_25 = tpu.memref_slice %arg2[%add3A_21, %dma_start3A_24] : memref<262144x128xi32, #tpu.memory_space<hbm>> -> memref<256x16xi32, #tpu.memory_space<hbm>>
    tpu.enqueue_dma source(%dma_start3A_25 : memref<256x16xi32, #tpu.memory_space<hbm>>) target(%arg6 : memref<256x16xi32, #tpu.memory_space<vmem>>) target_semaphore(%arg11 : memref<!tpu.dma_semaphore, #tpu.memory_space<semaphore_mem>>)
    %add3A_26 = arith.constant 768 : i32
    %add3A_27 = arith.addi %mul3A_2, %add3A_26 : i32
    %dma_start3A_28 = arith.constant 32 : i32
    %dma_start3A_29 = tpu.memref_slice %arg2[%add3A_27, %dma_start3A_28] : memref<262144x128xi32, #tpu.memory_space<hbm>> -> memref<256x16xi32, #tpu.memory_space<hbm>>
    %dma_start3A_30 = arith.constant 32 : i32
    %dma_start3A_31 = tpu.memref_slice %arg2[%add3A_27, %dma_start3A_30] : memref<262144x128xi32, #tpu.memory_space<hbm>> -> memref<256x16xi32, #tpu.memory_space<hbm>>
    tpu.enqueue_dma source(%dma_start3A_31 : memref<256x16xi32, #tpu.memory_space<hbm>>) target(%arg7 : memref<256x16xi32, #tpu.memory_space<vmem>>) target_semaphore(%arg12 : memref<!tpu.dma_semaphore, #tpu.memory_space<semaphore_mem>>)
    %scan3A = arith.constant 0 : i32
    %scan3A_32 = arith.constant 0 : i32
    %scan3A_33 = arith.constant 7 : i32
    %scan3A_34 = arith.addi %scan3A_32, %scan3A_33 : i32
    %scan3A_35 = arith.constant 1 : i32
    scf.for %scan3A_84 = %scan3A_32 to %scan3A_34 step %scan3A_35  : i32 {
      %mul3A_85 = arith.constant 4 : i32
      %mul3A_86 = arith.muli %scan3A_84, %mul3A_85 : i32
      %add3A_87 = arith.constant 0 : i32
      %add3A_88 = arith.addi %mul3A_86, %add3A_87 : i32
      %mul3A_89 = arith.constant 256 : i32
      %mul3A_90 = arith.muli %add3A_88, %mul3A_89 : i32
      %add3A_91 = arith.addi %mul3A_2, %mul3A_90 : i32
      %dma_wait3A_92 = arith.constant 32 : i32
      %dma_wait3A_93 = tpu.memref_slice %arg2[%add3A_91, %dma_wait3A_92] : memref<262144x128xi32, #tpu.memory_space<hbm>> -> memref<256x16xi32, #tpu.memory_space<hbm>>
      %dma_wait3A_94 = arith.constant 32 : i32
      %dma_wait3A_95 = tpu.memref_slice %arg2[%add3A_91, %dma_wait3A_94] : memref<262144x128xi32, #tpu.memory_space<hbm>> -> memref<256x16xi32, #tpu.memory_space<hbm>>
      tpu.wait_dma2 semaphore(%arg9 : memref<!tpu.dma_semaphore, #tpu.memory_space<semaphore_mem>>) src(%dma_wait3A_95 : memref<256x16xi32, #tpu.memory_space<hbm>>) dst(%arg4 : memref<256x16xi32, #tpu.memory_space<vmem>>)
      %scan3A_96 = arith.constant 0 : i32
      %scan3A_97 = arith.constant 0 : i32
      %scan3A_98 = arith.constant 16 : i32
      %scan3A_99 = arith.addi %scan3A_97, %scan3A_98 : i32
      %scan3A_100 = arith.constant 1 : i32
      scf.for %scan3A_189 = %scan3A_97 to %scan3A_99 step %scan3A_100  : i32 {
        %mul3A_190 = arith.constant 16 : i32
        %mul3A_191 = arith.muli %scan3A_189, %mul3A_190 : i32
        %add3A_192 = vector.broadcast %mul3A_191 : i32 to vector<16xi32>
        %add3A_193 = arith.addi %add3A_192, %iota3A : vector<16xi32>
        %gather3A = tpu.vector_load_idx %arg4[%add3A_193, %broadcast_in_dim3A_8] : memref<256x16xi32, #tpu.memory_space<vmem>>[vector<16xi32>, vector<16xi32>], vector<16xi32>,
        %add3A_194 = arith.constant 1 : i32
        %add3A_195 = vector.broadcast %add3A_194 : i32 to vector<16xi32>
        %add3A_196 = arith.addi %broadcast_in_dim3A_8, %add3A_195 : vector<16xi32>
        %gather3A_197 = tpu.vector_load_idx %arg4[%add3A_193, %add3A_196] : memref<256x16xi32, #tpu.memory_space<vmem>>[vector<16xi32>, vector<16xi32>], vector<16xi32>,
        %add3A_198 = arith.constant 2 : i32
        %add3A_199 = vector.broadcast %add3A_198 : i32 to vector<16xi32>
        %add3A_200 = arith.addi %broadcast_in_dim3A_8, %add3A_199 : vector<16xi32>
        %gather3A_201 = tpu.vector_load_idx %arg4[%add3A_193, %add3A_200] : memref<256x16xi32, #tpu.memory_space<vmem>>[vector<16xi32>, vector<16xi32>], vector<16xi32>,
        %add3A_202 = arith.constant 3 : i32
        %add3A_203 = vector.broadcast %add3A_202 : i32 to vector<16xi32>
        %add3A_204 = arith.addi %broadcast_in_dim3A_8, %add3A_203 : vector<16xi32>
        %gather3A_205 = tpu.vector_load_idx %arg4[%add3A_193, %add3A_204] : memref<256x16xi32, #tpu.memory_space<vmem>>[vector<16xi32>, vector<16xi32>], vector<16xi32>,
        %sub3A = arith.subi %gather3A_197, %gather3A : vector<16xi32>
        %abs3A = math.absi %sub3A : vector<16xi32>
        %sub3A_206 = arith.subi %gather3A_205, %gather3A_201 : vector<16xi32>
        %abs3A_207 = math.absi %sub3A_206 : vector<16xi32>
        %gt3A = arith.cmpi sgt, %gather3A_197, %gather3A : vector<16xi32>
        %gt3A_208 = arith.cmpi sgt, %gather3A_205, %gather3A_201 : vector<16xi32>
        %lt3A = arith.constant 22 : i32
        %lt3A_209 = vector.broadcast %lt3A : i32 to vector<16xi32>
        %lt3A_210 = arith.cmpi slt, %abs3A, %lt3A_209 : vector<16xi32>
        %jit3A = arith.constant 4 : i32
        %jit3A_211 = arith.constant 3 : i32
        %broadcast_in_dim3A_212 = vector.broadcast %jit3A : i32 to vector<16xi32>
        %broadcast_in_dim3A_213 = vector.broadcast %jit3A_211 : i32 to vector<16xi32>
        %select_n3A = arith.select %gt3A, %broadcast_in_dim3A_212, %broadcast_in_dim3A_213 : vector<16xi1>, vector<16xi32>
        %jit3A_214 = arith.constant 1 : i32
        %broadcast_in_dim3A_215 = vector.broadcast %jit3A_214 : i32 to vector<16xi32>
        %select_n3A_216 = arith.select %lt3A_210, %select_n3A, %broadcast_in_dim3A_215 : vector<16xi1>, vector<16xi32>
        %gt3A_217 = arith.constant 24 : i32
        %gt3A_218 = vector.broadcast %gt3A_217 : i32 to vector<16xi32>
        %gt3A_219 = arith.cmpi sgt, %abs3A, %gt3A_218 : vector<16xi32>
        %jit3A_220 = arith.constant 3 : i32
        %jit3A_221 = arith.constant 4 : i32
        %broadcast_in_dim3A_222 = vector.broadcast %jit3A_220 : i32 to vector<16xi32>
        %broadcast_in_dim3A_223 = vector.broadcast %jit3A_221 : i32 to vector<16xi32>
        %select_n3A_224 = arith.select %gt3A, %broadcast_in_dim3A_222, %broadcast_in_dim3A_223 : vector<16xi1>, vector<16xi32>
        %select_n3A_225 = arith.select %gt3A_219, %select_n3A_224, %select_n3A_216 : vector<16xi1>, vector<16xi32>
        %gt3A_226 = arith.constant 2 : i32
        %gt3A_227 = vector.broadcast %gt3A_226 : i32 to vector<16xi32>
        %gt3A_228 = arith.cmpi sgt, %abs3A_207, %gt3A_227 : vector<16xi32>
        %jit3A_229 = arith.constant 5 : i32
        %jit3A_230 = arith.constant 2 : i32
        %broadcast_in_dim3A_231 = vector.broadcast %jit3A_229 : i32 to vector<16xi32>
        %broadcast_in_dim3A_232 = vector.broadcast %jit3A_230 : i32 to vector<16xi32>
        %select_n3A_233 = arith.select %gt3A_208, %broadcast_in_dim3A_231, %broadcast_in_dim3A_232 : vector<16xi1>, vector<16xi32>
        %select_n3A_234 = arith.select %gt3A_228, %select_n3A_233, %select_n3A_225 : vector<16xi1>, vector<16xi32>
        tpu.vector_store_idx %arg8[%select_n3A_234], %broadcast_in_dim3A_6 : memref<16xf32, #tpu.memory_space<vmem>>[vector<16xi32>], vector<16xf32>,
      }
      %scan3A_101 = arith.constant 16 : i32
      %add3A_102 = arith.constant 4 : i32
      %add3A_103 = arith.addi %add3A_88, %add3A_102 : i32
      %mul3A_104 = arith.constant 256 : i32
      %mul3A_105 = arith.muli %add3A_103, %mul3A_104 : i32
      %add3A_106 = arith.addi %mul3A_2, %mul3A_105 : i32
      %dma_start3A_107 = arith.constant 32 : i32
      %dma_start3A_108 = tpu.memref_slice %arg2[%add3A_106, %dma_start3A_107] : memref<262144x128xi32, #tpu.memory_space<hbm>> -> memref<256x16xi32, #tpu.memory_space<hbm>>
      %dma_start3A_109 = arith.constant 32 : i32
      %dma_start3A_110 = tpu.memref_slice %arg2[%add3A_106, %dma_start3A_109] : memref<262144x128xi32, #tpu.memory_space<hbm>> -> memref<256x16xi32, #tpu.memory_space<hbm>>
      tpu.enqueue_dma source(%dma_start3A_110 : memref<256x16xi32, #tpu.memory_space<hbm>>) target(%arg4 : memref<256x16xi32, #tpu.memory_space<vmem>>) target_semaphore(%arg9 : memref<!tpu.dma_semaphore, #tpu.memory_space<semaphore_mem>>)
      %mul3A_111 = arith.constant 4 : i32
      %mul3A_112 = arith.muli %scan3A_84, %mul3A_111 : i32
      %add3A_113 = arith.constant 1 : i32
      %add3A_114 = arith.addi %mul3A_112, %add3A_113 : i32
      %mul3A_115 = arith.constant 256 : i32
      %mul3A_116 = arith.muli %add3A_114, %mul3A_115 : i32
      %add3A_117 = arith.addi %mul3A_2, %mul3A_116 : i32
      %dma_wait3A_118 = arith.constant 32 : i32
      %dma_wait3A_119 = tpu.memref_slice %arg2[%add3A_117, %dma_wait3A_118] : memref<262144x128xi32, #tpu.memory_space<hbm>> -> memref<256x16xi32, #tpu.memory_space<hbm>>
      %dma_wait3A_120 = arith.constant 32 : i32
      %dma_wait3A_121 = tpu.memref_slice %arg2[%add3A_117, %dma_wait3A_120] : memref<262144x128xi32, #tpu.memory_space<hbm>> -> memref<256x16xi32, #tpu.memory_space<hbm>>
      tpu.wait_dma2 semaphore(%arg10 : memref<!tpu.dma_semaphore, #tpu.memory_space<semaphore_mem>>) src(%dma_wait3A_121 : memref<256x16xi32, #tpu.memory_space<hbm>>) dst(%arg5 : memref<256x16xi32, #tpu.memory_space<vmem>>)
      %scan3A_122 = arith.constant 0 : i32
      %scan3A_123 = arith.constant 0 : i32
      %scan3A_124 = arith.constant 16 : i32
      %scan3A_125 = arith.addi %scan3A_123, %scan3A_124 : i32
      %scan3A_126 = arith.constant 1 : i32
      scf.for %scan3A_189 = %scan3A_123 to %scan3A_125 step %scan3A_126  : i32 {
        %mul3A_190 = arith.constant 16 : i32
        %mul3A_191 = arith.muli %scan3A_189, %mul3A_190 : i32
        %add3A_192 = vector.broadcast %mul3A_191 : i32 to vector<16xi32>
        %add3A_193 = arith.addi %add3A_192, %iota3A : vector<16xi32>
        %gather3A = tpu.vector_load_idx %arg5[%add3A_193, %broadcast_in_dim3A_8] : memref<256x16xi32, #tpu.memory_space<vmem>>[vector<16xi32>, vector<16xi32>], vector<16xi32>,
        %add3A_194 = arith.constant 1 : i32
        %add3A_195 = vector.broadcast %add3A_194 : i32 to vector<16xi32>
        %add3A_196 = arith.addi %broadcast_in_dim3A_8, %add3A_195 : vector<16xi32>
        %gather3A_197 = tpu.vector_load_idx %arg5[%add3A_193, %add3A_196] : memref<256x16xi32, #tpu.memory_space<vmem>>[vector<16xi32>, vector<16xi32>], vector<16xi32>,
        %add3A_198 = arith.constant 2 : i32
        %add3A_199 = vector.broadcast %add3A_198 : i32 to vector<16xi32>
        %add3A_200 = arith.addi %broadcast_in_dim3A_8, %add3A_199 : vector<16xi32>
        %gather3A_201 = tpu.vector_load_idx %arg5[%add3A_193, %add3A_200] : memref<256x16xi32, #tpu.memory_space<vmem>>[vector<16xi32>, vector<16xi32>], vector<16xi32>,
        %add3A_202 = arith.constant 3 : i32
        %add3A_203 = vector.broadcast %add3A_202 : i32 to vector<16xi32>
        %add3A_204 = arith.addi %broadcast_in_dim3A_8, %add3A_203 : vector<16xi32>
        %gather3A_205 = tpu.vector_load_idx %arg5[%add3A_193, %add3A_204] : memref<256x16xi32, #tpu.memory_space<vmem>>[vector<16xi32>, vector<16xi32>], vector<16xi32>,
        %sub3A = arith.subi %gather3A_197, %gather3A : vector<16xi32>
        %abs3A = math.absi %sub3A : vector<16xi32>
        %sub3A_206 = arith.subi %gather3A_205, %gather3A_201 : vector<16xi32>
        %abs3A_207 = math.absi %sub3A_206 : vector<16xi32>
        %gt3A = arith.cmpi sgt, %gather3A_197, %gather3A : vector<16xi32>
        %gt3A_208 = arith.cmpi sgt, %gather3A_205, %gather3A_201 : vector<16xi32>
        %lt3A = arith.constant 22 : i32
        %lt3A_209 = vector.broadcast %lt3A : i32 to vector<16xi32>
        %lt3A_210 = arith.cmpi slt, %abs3A, %lt3A_209 : vector<16xi32>
        %jit3A = arith.constant 4 : i32
        %jit3A_211 = arith.constant 3 : i32
        %broadcast_in_dim3A_212 = vector.broadcast %jit3A : i32 to vector<16xi32>
        %broadcast_in_dim3A_213 = vector.broadcast %jit3A_211 : i32 to vector<16xi32>
        %select_n3A = arith.select %gt3A, %broadcast_in_dim3A_212, %broadcast_in_dim3A_213 : vector<16xi1>, vector<16xi32>
        %jit3A_214 = arith.constant 1 : i32
        %broadcast_in_dim3A_215 = vector.broadcast %jit3A_214 : i32 to vector<16xi32>
        %select_n3A_216 = arith.select %lt3A_210, %select_n3A, %broadcast_in_dim3A_215 : vector<16xi1>, vector<16xi32>
        %gt3A_217 = arith.constant 24 : i32
        %gt3A_218 = vector.broadcast %gt3A_217 : i32 to vector<16xi32>
        %gt3A_219 = arith.cmpi sgt, %abs3A, %gt3A_218 : vector<16xi32>
        %jit3A_220 = arith.constant 3 : i32
        %jit3A_221 = arith.constant 4 : i32
        %broadcast_in_dim3A_222 = vector.broadcast %jit3A_220 : i32 to vector<16xi32>
        %broadcast_in_dim3A_223 = vector.broadcast %jit3A_221 : i32 to vector<16xi32>
        %select_n3A_224 = arith.select %gt3A, %broadcast_in_dim3A_222, %broadcast_in_dim3A_223 : vector<16xi1>, vector<16xi32>
        %select_n3A_225 = arith.select %gt3A_219, %select_n3A_224, %select_n3A_216 : vector<16xi1>, vector<16xi32>
        %gt3A_226 = arith.constant 2 : i32
        %gt3A_227 = vector.broadcast %gt3A_226 : i32 to vector<16xi32>
        %gt3A_228 = arith.cmpi sgt, %abs3A_207, %gt3A_227 : vector<16xi32>
        %jit3A_229 = arith.constant 5 : i32
        %jit3A_230 = arith.constant 2 : i32
        %broadcast_in_dim3A_231 = vector.broadcast %jit3A_229 : i32 to vector<16xi32>
        %broadcast_in_dim3A_232 = vector.broadcast %jit3A_230 : i32 to vector<16xi32>
        %select_n3A_233 = arith.select %gt3A_208, %broadcast_in_dim3A_231, %broadcast_in_dim3A_232 : vector<16xi1>, vector<16xi32>
        %select_n3A_234 = arith.select %gt3A_228, %select_n3A_233, %select_n3A_225 : vector<16xi1>, vector<16xi32>
        tpu.vector_store_idx %arg8[%select_n3A_234], %broadcast_in_dim3A_6 : memref<16xf32, #tpu.memory_space<vmem>>[vector<16xi32>], vector<16xf32>,
      }
      %scan3A_127 = arith.constant 16 : i32
      %add3A_128 = arith.constant 4 : i32
      %add3A_129 = arith.addi %add3A_114, %add3A_128 : i32
      %mul3A_130 = arith.constant 256 : i32
      %mul3A_131 = arith.muli %add3A_129, %mul3A_130 : i32
      %add3A_132 = arith.addi %mul3A_2, %mul3A_131 : i32
      %dma_start3A_133 = arith.constant 32 : i32
      %dma_start3A_134 = tpu.memref_slice %arg2[%add3A_132, %dma_start3A_133] : memref<262144x128xi32, #tpu.memory_space<hbm>> -> memref<256x16xi32, #tpu.memory_space<hbm>>
      %dma_start3A_135 = arith.constant 32 : i32
      %dma_start3A_136 = tpu.memref_slice %arg2[%add3A_132, %dma_start3A_135] : memref<262144x128xi32, #tpu.memory_space<hbm>> -> memref<256x16xi32, #tpu.memory_space<hbm>>
      tpu.enqueue_dma source(%dma_start3A_136 : memref<256x16xi32, #tpu.memory_space<hbm>>) target(%arg5 : memref<256x16xi32, #tpu.memory_space<vmem>>) target_semaphore(%arg10 : memref<!tpu.dma_semaphore, #tpu.memory_space<semaphore_mem>>)
      %mul3A_137 = arith.constant 4 : i32
      %mul3A_138 = arith.muli %scan3A_84, %mul3A_137 : i32
      %add3A_139 = arith.constant 2 : i32
      %add3A_140 = arith.addi %mul3A_138, %add3A_139 : i32
      %mul3A_141 = arith.constant 256 : i32
      %mul3A_142 = arith.muli %add3A_140, %mul3A_141 : i32
      %add3A_143 = arith.addi %mul3A_2, %mul3A_142 : i32
      %dma_wait3A_144 = arith.constant 32 : i32
      %dma_wait3A_145 = tpu.memref_slice %arg2[%add3A_143, %dma_wait3A_144] : memref<262144x128xi32, #tpu.memory_space<hbm>> -> memref<256x16xi32, #tpu.memory_space<hbm>>
      %dma_wait3A_146 = arith.constant 32 : i32
      %dma_wait3A_147 = tpu.memref_slice %arg2[%add3A_143, %dma_wait3A_146] : memref<262144x128xi32, #tpu.memory_space<hbm>> -> memref<256x16xi32, #tpu.memory_space<hbm>>
      tpu.wait_dma2 semaphore(%arg11 : memref<!tpu.dma_semaphore, #tpu.memory_space<semaphore_mem>>) src(%dma_wait3A_147 : memref<256x16xi32, #tpu.memory_space<hbm>>) dst(%arg6 : memref<256x16xi32, #tpu.memory_space<vmem>>)
      %scan3A_148 = arith.constant 0 : i32
      %scan3A_149 = arith.constant 0 : i32
      %scan3A_150 = arith.constant 16 : i32
      %scan3A_151 = arith.addi %scan3A_149, %scan3A_150 : i32
      %scan3A_152 = arith.constant 1 : i32
      scf.for %scan3A_189 = %scan3A_149 to %scan3A_151 step %scan3A_152  : i32 {
        %mul3A_190 = arith.constant 16 : i32
        %mul3A_191 = arith.muli %scan3A_189, %mul3A_190 : i32
        %add3A_192 = vector.broadcast %mul3A_191 : i32 to vector<16xi32>
        %add3A_193 = arith.addi %add3A_192, %iota3A : vector<16xi32>
        %gather3A = tpu.vector_load_idx %arg6[%add3A_193, %broadcast_in_dim3A_8] : memref<256x16xi32, #tpu.memory_space<vmem>>[vector<16xi32>, vector<16xi32>], vector<16xi32>,
        %add3A_194 = arith.constant 1 : i32
        %add3A_195 = vector.broadcast %add3A_194 : i32 to vector<16xi32>
        %add3A_196 = arith.addi %broadcast_in_dim3A_8, %add3A_195 : vector<16xi32>
        %gather3A_197 = tpu.vector_load_idx %arg6[%add3A_193, %add3A_196] : memref<256x16xi32, #tpu.memory_space<vmem>>[vector<16xi32>, vector<16xi32>], vector<16xi32>,
        %add3A_198 = arith.constant 2 : i32
        %add3A_199 = vector.broadcast %add3A_198 : i32 to vector<16xi32>
        %add3A_200 = arith.addi %broadcast_in_dim3A_8, %add3A_199 : vector<16xi32>
        %gather3A_201 = tpu.vector_load_idx %arg6[%add3A_193, %add3A_200] : memref<256x16xi32, #tpu.memory_space<vmem>>[vector<16xi32>, vector<16xi32>], vector<16xi32>,
        %add3A_202 = arith.constant 3 : i32
        %add3A_203 = vector.broadcast %add3A_202 : i32 to vector<16xi32>
        %add3A_204 = arith.addi %broadcast_in_dim3A_8, %add3A_203 : vector<16xi32>
        %gather3A_205 = tpu.vector_load_idx %arg6[%add3A_193, %add3A_204] : memref<256x16xi32, #tpu.memory_space<vmem>>[vector<16xi32>, vector<16xi32>], vector<16xi32>,
        %sub3A = arith.subi %gather3A_197, %gather3A : vector<16xi32>
        %abs3A = math.absi %sub3A : vector<16xi32>
        %sub3A_206 = arith.subi %gather3A_205, %gather3A_201 : vector<16xi32>
        %abs3A_207 = math.absi %sub3A_206 : vector<16xi32>
        %gt3A = arith.cmpi sgt, %gather3A_197, %gather3A : vector<16xi32>
        %gt3A_208 = arith.cmpi sgt, %gather3A_205, %gather3A_201 : vector<16xi32>
        %lt3A = arith.constant 22 : i32
        %lt3A_209 = vector.broadcast %lt3A : i32 to vector<16xi32>
        %lt3A_210 = arith.cmpi slt, %abs3A, %lt3A_209 : vector<16xi32>
        %jit3A = arith.constant 4 : i32
        %jit3A_211 = arith.constant 3 : i32
        %broadcast_in_dim3A_212 = vector.broadcast %jit3A : i32 to vector<16xi32>
        %broadcast_in_dim3A_213 = vector.broadcast %jit3A_211 : i32 to vector<16xi32>
        %select_n3A = arith.select %gt3A, %broadcast_in_dim3A_212, %broadcast_in_dim3A_213 : vector<16xi1>, vector<16xi32>
        %jit3A_214 = arith.constant 1 : i32
        %broadcast_in_dim3A_215 = vector.broadcast %jit3A_214 : i32 to vector<16xi32>
        %select_n3A_216 = arith.select %lt3A_210, %select_n3A, %broadcast_in_dim3A_215 : vector<16xi1>, vector<16xi32>
        %gt3A_217 = arith.constant 24 : i32
        %gt3A_218 = vector.broadcast %gt3A_217 : i32 to vector<16xi32>
        %gt3A_219 = arith.cmpi sgt, %abs3A, %gt3A_218 : vector<16xi32>
        %jit3A_220 = arith.constant 3 : i32
        %jit3A_221 = arith.constant 4 : i32
        %broadcast_in_dim3A_222 = vector.broadcast %jit3A_220 : i32 to vector<16xi32>
        %broadcast_in_dim3A_223 = vector.broadcast %jit3A_221 : i32 to vector<16xi32>
        %select_n3A_224 = arith.select %gt3A, %broadcast_in_dim3A_222, %broadcast_in_dim3A_223 : vector<16xi1>, vector<16xi32>
        %select_n3A_225 = arith.select %gt3A_219, %select_n3A_224, %select_n3A_216 : vector<16xi1>, vector<16xi32>
        %gt3A_226 = arith.constant 2 : i32
        %gt3A_227 = vector.broadcast %gt3A_226 : i32 to vector<16xi32>
        %gt3A_228 = arith.cmpi sgt, %abs3A_207, %gt3A_227 : vector<16xi32>
        %jit3A_229 = arith.constant 5 : i32
        %jit3A_230 = arith.constant 2 : i32
        %broadcast_in_dim3A_231 = vector.broadcast %jit3A_229 : i32 to vector<16xi32>
        %broadcast_in_dim3A_232 = vector.broadcast %jit3A_230 : i32 to vector<16xi32>
        %select_n3A_233 = arith.select %gt3A_208, %broadcast_in_dim3A_231, %broadcast_in_dim3A_232 : vector<16xi1>, vector<16xi32>
        %select_n3A_234 = arith.select %gt3A_228, %select_n3A_233, %select_n3A_225 : vector<16xi1>, vector<16xi32>
        tpu.vector_store_idx %arg8[%select_n3A_234], %broadcast_in_dim3A_6 : memref<16xf32, #tpu.memory_space<vmem>>[vector<16xi32>], vector<16xf32>,
      }
      %scan3A_153 = arith.constant 16 : i32
      %add3A_154 = arith.constant 4 : i32
      %add3A_155 = arith.addi %add3A_140, %add3A_154 : i32
      %mul3A_156 = arith.constant 256 : i32
      %mul3A_157 = arith.muli %add3A_155, %mul3A_156 : i32
      %add3A_158 = arith.addi %mul3A_2, %mul3A_157 : i32
      %dma_start3A_159 = arith.constant 32 : i32
      %dma_start3A_160 = tpu.memref_slice %arg2[%add3A_158, %dma_start3A_159] : memref<262144x128xi32, #tpu.memory_space<hbm>> -> memref<256x16xi32, #tpu.memory_space<hbm>>
      %dma_start3A_161 = arith.constant 32 : i32
      %dma_start3A_162 = tpu.memref_slice %arg2[%add3A_158, %dma_start3A_161] : memref<262144x128xi32, #tpu.memory_space<hbm>> -> memref<256x16xi32, #tpu.memory_space<hbm>>
      tpu.enqueue_dma source(%dma_start3A_162 : memref<256x16xi32, #tpu.memory_space<hbm>>) target(%arg6 : memref<256x16xi32, #tpu.memory_space<vmem>>) target_semaphore(%arg11 : memref<!tpu.dma_semaphore, #tpu.memory_space<semaphore_mem>>)
      %mul3A_163 = arith.constant 4 : i32
      %mul3A_164 = arith.muli %scan3A_84, %mul3A_163 : i32
      %add3A_165 = arith.constant 3 : i32
      %add3A_166 = arith.addi %mul3A_164, %add3A_165 : i32
      %mul3A_167 = arith.constant 256 : i32
      %mul3A_168 = arith.muli %add3A_166, %mul3A_167 : i32
      %add3A_169 = arith.addi %mul3A_2, %mul3A_168 : i32
      %dma_wait3A_170 = arith.constant 32 : i32
      %dma_wait3A_171 = tpu.memref_slice %arg2[%add3A_169, %dma_wait3A_170] : memref<262144x128xi32, #tpu.memory_space<hbm>> -> memref<256x16xi32, #tpu.memory_space<hbm>>
      %dma_wait3A_172 = arith.constant 32 : i32
      %dma_wait3A_173 = tpu.memref_slice %arg2[%add3A_169, %dma_wait3A_172] : memref<262144x128xi32, #tpu.memory_space<hbm>> -> memref<256x16xi32, #tpu.memory_space<hbm>>
      tpu.wait_dma2 semaphore(%arg12 : memref<!tpu.dma_semaphore, #tpu.memory_space<semaphore_mem>>) src(%dma_wait3A_173 : memref<256x16xi32, #tpu.memory_space<hbm>>) dst(%arg7 : memref<256x16xi32, #tpu.memory_space<vmem>>)
      %scan3A_174 = arith.constant 0 : i32
      %scan3A_175 = arith.constant 0 : i32
      %scan3A_176 = arith.constant 16 : i32
      %scan3A_177 = arith.addi %scan3A_175, %scan3A_176 : i32
      %scan3A_178 = arith.constant 1 : i32
      scf.for %scan3A_189 = %scan3A_175 to %scan3A_177 step %scan3A_178  : i32 {
        %mul3A_190 = arith.constant 16 : i32
        %mul3A_191 = arith.muli %scan3A_189, %mul3A_190 : i32
        %add3A_192 = vector.broadcast %mul3A_191 : i32 to vector<16xi32>
        %add3A_193 = arith.addi %add3A_192, %iota3A : vector<16xi32>
        %gather3A = tpu.vector_load_idx %arg7[%add3A_193, %broadcast_in_dim3A_8] : memref<256x16xi32, #tpu.memory_space<vmem>>[vector<16xi32>, vector<16xi32>], vector<16xi32>,
        %add3A_194 = arith.constant 1 : i32
        %add3A_195 = vector.broadcast %add3A_194 : i32 to vector<16xi32>
        %add3A_196 = arith.addi %broadcast_in_dim3A_8, %add3A_195 : vector<16xi32>
        %gather3A_197 = tpu.vector_load_idx %arg7[%add3A_193, %add3A_196] : memref<256x16xi32, #tpu.memory_space<vmem>>[vector<16xi32>, vector<16xi32>], vector<16xi32>,
        %add3A_198 = arith.constant 2 : i32
        %add3A_199 = vector.broadcast %add3A_198 : i32 to vector<16xi32>
        %add3A_200 = arith.addi %broadcast_in_dim3A_8, %add3A_199 : vector<16xi32>
        %gather3A_201 = tpu.vector_load_idx %arg7[%add3A_193, %add3A_200] : memref<256x16xi32, #tpu.memory_space<vmem>>[vector<16xi32>, vector<16xi32>], vector<16xi32>,
        %add3A_202 = arith.constant 3 : i32
        %add3A_203 = vector.broadcast %add3A_202 : i32 to vector<16xi32>
        %add3A_204 = arith.addi %broadcast_in_dim3A_8, %add3A_203 : vector<16xi32>
        %gather3A_205 = tpu.vector_load_idx %arg7[%add3A_193, %add3A_204] : memref<256x16xi32, #tpu.memory_space<vmem>>[vector<16xi32>, vector<16xi32>], vector<16xi32>,
        %sub3A = arith.subi %gather3A_197, %gather3A : vector<16xi32>
        %abs3A = math.absi %sub3A : vector<16xi32>
        %sub3A_206 = arith.subi %gather3A_205, %gather3A_201 : vector<16xi32>
        %abs3A_207 = math.absi %sub3A_206 : vector<16xi32>
        %gt3A = arith.cmpi sgt, %gather3A_197, %gather3A : vector<16xi32>
        %gt3A_208 = arith.cmpi sgt, %gather3A_205, %gather3A_201 : vector<16xi32>
        %lt3A = arith.constant 22 : i32
        %lt3A_209 = vector.broadcast %lt3A : i32 to vector<16xi32>
        %lt3A_210 = arith.cmpi slt, %abs3A, %lt3A_209 : vector<16xi32>
        %jit3A = arith.constant 4 : i32
        %jit3A_211 = arith.constant 3 : i32
        %broadcast_in_dim3A_212 = vector.broadcast %jit3A : i32 to vector<16xi32>
        %broadcast_in_dim3A_213 = vector.broadcast %jit3A_211 : i32 to vector<16xi32>
        %select_n3A = arith.select %gt3A, %broadcast_in_dim3A_212, %broadcast_in_dim3A_213 : vector<16xi1>, vector<16xi32>
        %jit3A_214 = arith.constant 1 : i32
        %broadcast_in_dim3A_215 = vector.broadcast %jit3A_214 : i32 to vector<16xi32>
        %select_n3A_216 = arith.select %lt3A_210, %select_n3A, %broadcast_in_dim3A_215 : vector<16xi1>, vector<16xi32>
        %gt3A_217 = arith.constant 24 : i32
        %gt3A_218 = vector.broadcast %gt3A_217 : i32 to vector<16xi32>
        %gt3A_219 = arith.cmpi sgt, %abs3A, %gt3A_218 : vector<16xi32>
        %jit3A_220 = arith.constant 3 : i32
        %jit3A_221 = arith.constant 4 : i32
        %broadcast_in_dim3A_222 = vector.broadcast %jit3A_220 : i32 to vector<16xi32>
        %broadcast_in_dim3A_223 = vector.broadcast %jit3A_221 : i32 to vector<16xi32>
        %select_n3A_224 = arith.select %gt3A, %broadcast_in_dim3A_222, %broadcast_in_dim3A_223 : vector<16xi1>, vector<16xi32>
        %select_n3A_225 = arith.select %gt3A_219, %select_n3A_224, %select_n3A_216 : vector<16xi1>, vector<16xi32>
        %gt3A_226 = arith.constant 2 : i32
        %gt3A_227 = vector.broadcast %gt3A_226 : i32 to vector<16xi32>
        %gt3A_228 = arith.cmpi sgt, %abs3A_207, %gt3A_227 : vector<16xi32>
        %jit3A_229 = arith.constant 5 : i32
        %jit3A_230 = arith.constant 2 : i32
        %broadcast_in_dim3A_231 = vector.broadcast %jit3A_229 : i32 to vector<16xi32>
        %broadcast_in_dim3A_232 = vector.broadcast %jit3A_230 : i32 to vector<16xi32>
        %select_n3A_233 = arith.select %gt3A_208, %broadcast_in_dim3A_231, %broadcast_in_dim3A_232 : vector<16xi1>, vector<16xi32>
        %select_n3A_234 = arith.select %gt3A_228, %select_n3A_233, %select_n3A_225 : vector<16xi1>, vector<16xi32>
        tpu.vector_store_idx %arg8[%select_n3A_234], %broadcast_in_dim3A_6 : memref<16xf32, #tpu.memory_space<vmem>>[vector<16xi32>], vector<16xf32>,
      }
      %scan3A_179 = arith.constant 16 : i32
      %add3A_180 = arith.constant 4 : i32
      %add3A_181 = arith.addi %add3A_166, %add3A_180 : i32
      %mul3A_182 = arith.constant 256 : i32
      %mul3A_183 = arith.muli %add3A_181, %mul3A_182 : i32
      %add3A_184 = arith.addi %mul3A_2, %mul3A_183 : i32
      %dma_start3A_185 = arith.constant 32 : i32
      %dma_start3A_186 = tpu.memref_slice %arg2[%add3A_184, %dma_start3A_185] : memref<262144x128xi32, #tpu.memory_space<hbm>> -> memref<256x16xi32, #tpu.memory_space<hbm>>
      %dma_start3A_187 = arith.constant 32 : i32
      %dma_start3A_188 = tpu.memref_slice %arg2[%add3A_184, %dma_start3A_187] : memref<262144x128xi32, #tpu.memory_space<hbm>> -> memref<256x16xi32, #tpu.memory_space<hbm>>
      tpu.enqueue_dma source(%dma_start3A_188 : memref<256x16xi32, #tpu.memory_space<hbm>>) target(%arg7 : memref<256x16xi32, #tpu.memory_space<vmem>>) target_semaphore(%arg12 : memref<!tpu.dma_semaphore, #tpu.memory_space<semaphore_mem>>)
    }
    %scan3A_36 = arith.constant 7 : i32
    %add3A_37 = arith.constant 7168 : i32
    %add3A_38 = arith.addi %mul3A_2, %add3A_37 : i32
    %dma_wait3A = arith.constant 32 : i32
    %dma_wait3A_39 = tpu.memref_slice %arg2[%add3A_38, %dma_wait3A] : memref<262144x128xi32, #tpu.memory_space<hbm>> -> memref<256x16xi32, #tpu.memory_space<hbm>>
    %dma_wait3A_40 = arith.constant 32 : i32
    %dma_wait3A_41 = tpu.memref_slice %arg2[%add3A_38, %dma_wait3A_40] : memref<262144x128xi32, #tpu.memory_space<hbm>> -> memref<256x16xi32, #tpu.memory_space<hbm>>
    tpu.wait_dma2 semaphore(%arg9 : memref<!tpu.dma_semaphore, #tpu.memory_space<semaphore_mem>>) src(%dma_wait3A_41 : memref<256x16xi32, #tpu.memory_space<hbm>>) dst(%arg4 : memref<256x16xi32, #tpu.memory_space<vmem>>)
    %scan3A_42 = arith.constant 0 : i32
    %scan3A_43 = arith.constant 0 : i32
    %scan3A_44 = arith.constant 16 : i32
    %scan3A_45 = arith.addi %scan3A_43, %scan3A_44 : i32
    %scan3A_46 = arith.constant 1 : i32
    scf.for %scan3A_84 = %scan3A_43 to %scan3A_45 step %scan3A_46  : i32 {
      %mul3A_85 = arith.constant 16 : i32
      %mul3A_86 = arith.muli %scan3A_84, %mul3A_85 : i32
      %add3A_87 = vector.broadcast %mul3A_86 : i32 to vector<16xi32>
      %add3A_88 = arith.addi %add3A_87, %iota3A : vector<16xi32>
      %gather3A = tpu.vector_load_idx %arg4[%add3A_88, %broadcast_in_dim3A_8] : memref<256x16xi32, #tpu.memory_space<vmem>>[vector<16xi32>, vector<16xi32>], vector<16xi32>,
      %add3A_89 = arith.constant 1 : i32
      %add3A_90 = vector.broadcast %add3A_89 : i32 to vector<16xi32>
      %add3A_91 = arith.addi %broadcast_in_dim3A_8, %add3A_90 : vector<16xi32>
      %gather3A_92 = tpu.vector_load_idx %arg4[%add3A_88, %add3A_91] : memref<256x16xi32, #tpu.memory_space<vmem>>[vector<16xi32>, vector<16xi32>], vector<16xi32>,
      %add3A_93 = arith.constant 2 : i32
      %add3A_94 = vector.broadcast %add3A_93 : i32 to vector<16xi32>
      %add3A_95 = arith.addi %broadcast_in_dim3A_8, %add3A_94 : vector<16xi32>
      %gather3A_96 = tpu.vector_load_idx %arg4[%add3A_88, %add3A_95] : memref<256x16xi32, #tpu.memory_space<vmem>>[vector<16xi32>, vector<16xi32>], vector<16xi32>,
      %add3A_97 = arith.constant 3 : i32
      %add3A_98 = vector.broadcast %add3A_97 : i32 to vector<16xi32>
      %add3A_99 = arith.addi %broadcast_in_dim3A_8, %add3A_98 : vector<16xi32>
      %gather3A_100 = tpu.vector_load_idx %arg4[%add3A_88, %add3A_99] : memref<256x16xi32, #tpu.memory_space<vmem>>[vector<16xi32>, vector<16xi32>], vector<16xi32>,
      %sub3A = arith.subi %gather3A_92, %gather3A : vector<16xi32>
      %abs3A = math.absi %sub3A : vector<16xi32>
      %sub3A_101 = arith.subi %gather3A_100, %gather3A_96 : vector<16xi32>
      %abs3A_102 = math.absi %sub3A_101 : vector<16xi32>
      %gt3A = arith.cmpi sgt, %gather3A_92, %gather3A : vector<16xi32>
      %gt3A_103 = arith.cmpi sgt, %gather3A_100, %gather3A_96 : vector<16xi32>
      %lt3A = arith.constant 22 : i32
      %lt3A_104 = vector.broadcast %lt3A : i32 to vector<16xi32>
      %lt3A_105 = arith.cmpi slt, %abs3A, %lt3A_104 : vector<16xi32>
      %jit3A = arith.constant 4 : i32
      %jit3A_106 = arith.constant 3 : i32
      %broadcast_in_dim3A_107 = vector.broadcast %jit3A : i32 to vector<16xi32>
      %broadcast_in_dim3A_108 = vector.broadcast %jit3A_106 : i32 to vector<16xi32>
      %select_n3A = arith.select %gt3A, %broadcast_in_dim3A_107, %broadcast_in_dim3A_108 : vector<16xi1>, vector<16xi32>
      %jit3A_109 = arith.constant 1 : i32
      %broadcast_in_dim3A_110 = vector.broadcast %jit3A_109 : i32 to vector<16xi32>
      %select_n3A_111 = arith.select %lt3A_105, %select_n3A, %broadcast_in_dim3A_110 : vector<16xi1>, vector<16xi32>
      %gt3A_112 = arith.constant 24 : i32
      %gt3A_113 = vector.broadcast %gt3A_112 : i32 to vector<16xi32>
      %gt3A_114 = arith.cmpi sgt, %abs3A, %gt3A_113 : vector<16xi32>
      %jit3A_115 = arith.constant 3 : i32
      %jit3A_116 = arith.constant 4 : i32
      %broadcast_in_dim3A_117 = vector.broadcast %jit3A_115 : i32 to vector<16xi32>
      %broadcast_in_dim3A_118 = vector.broadcast %jit3A_116 : i32 to vector<16xi32>
      %select_n3A_119 = arith.select %gt3A, %broadcast_in_dim3A_117, %broadcast_in_dim3A_118 : vector<16xi1>, vector<16xi32>
      %select_n3A_120 = arith.select %gt3A_114, %select_n3A_119, %select_n3A_111 : vector<16xi1>, vector<16xi32>
      %gt3A_121 = arith.constant 2 : i32
      %gt3A_122 = vector.broadcast %gt3A_121 : i32 to vector<16xi32>
      %gt3A_123 = arith.cmpi sgt, %abs3A_102, %gt3A_122 : vector<16xi32>
      %jit3A_124 = arith.constant 5 : i32
      %jit3A_125 = arith.constant 2 : i32
      %broadcast_in_dim3A_126 = vector.broadcast %jit3A_124 : i32 to vector<16xi32>
      %broadcast_in_dim3A_127 = vector.broadcast %jit3A_125 : i32 to vector<16xi32>
      %select_n3A_128 = arith.select %gt3A_103, %broadcast_in_dim3A_126, %broadcast_in_dim3A_127 : vector<16xi1>, vector<16xi32>
      %select_n3A_129 = arith.select %gt3A_123, %select_n3A_128, %select_n3A_120 : vector<16xi1>, vector<16xi32>
      tpu.vector_store_idx %arg8[%select_n3A_129], %broadcast_in_dim3A_6 : memref<16xf32, #tpu.memory_space<vmem>>[vector<16xi32>], vector<16xf32>,
    }
    %scan3A_47 = arith.constant 16 : i32
    %add3A_48 = arith.constant 7424 : i32
    %add3A_49 = arith.addi %mul3A_2, %add3A_48 : i32
    %dma_wait3A_50 = arith.constant 32 : i32
    %dma_wait3A_51 = tpu.memref_slice %arg2[%add3A_49, %dma_wait3A_50] : memref<262144x128xi32, #tpu.memory_space<hbm>> -> memref<256x16xi32, #tpu.memory_space<hbm>>
    %dma_wait3A_52 = arith.constant 32 : i32
    %dma_wait3A_53 = tpu.memref_slice %arg2[%add3A_49, %dma_wait3A_52] : memref<262144x128xi32, #tpu.memory_space<hbm>> -> memref<256x16xi32, #tpu.memory_space<hbm>>
    tpu.wait_dma2 semaphore(%arg10 : memref<!tpu.dma_semaphore, #tpu.memory_space<semaphore_mem>>) src(%dma_wait3A_53 : memref<256x16xi32, #tpu.memory_space<hbm>>) dst(%arg5 : memref<256x16xi32, #tpu.memory_space<vmem>>)
    %scan3A_54 = arith.constant 0 : i32
    %scan3A_55 = arith.constant 0 : i32
    %scan3A_56 = arith.constant 16 : i32
    %scan3A_57 = arith.addi %scan3A_55, %scan3A_56 : i32
    %scan3A_58 = arith.constant 1 : i32
    scf.for %scan3A_84 = %scan3A_55 to %scan3A_57 step %scan3A_58  : i32 {
      %mul3A_85 = arith.constant 16 : i32
      %mul3A_86 = arith.muli %scan3A_84, %mul3A_85 : i32
      %add3A_87 = vector.broadcast %mul3A_86 : i32 to vector<16xi32>
      %add3A_88 = arith.addi %add3A_87, %iota3A : vector<16xi32>
      %gather3A = tpu.vector_load_idx %arg5[%add3A_88, %broadcast_in_dim3A_8] : memref<256x16xi32, #tpu.memory_space<vmem>>[vector<16xi32>, vector<16xi32>], vector<16xi32>,
      %add3A_89 = arith.constant 1 : i32
      %add3A_90 = vector.broadcast %add3A_89 : i32 to vector<16xi32>
      %add3A_91 = arith.addi %broadcast_in_dim3A_8, %add3A_90 : vector<16xi32>
      %gather3A_92 = tpu.vector_load_idx %arg5[%add3A_88, %add3A_91] : memref<256x16xi32, #tpu.memory_space<vmem>>[vector<16xi32>, vector<16xi32>], vector<16xi32>,
      %add3A_93 = arith.constant 2 : i32
      %add3A_94 = vector.broadcast %add3A_93 : i32 to vector<16xi32>
      %add3A_95 = arith.addi %broadcast_in_dim3A_8, %add3A_94 : vector<16xi32>
      %gather3A_96 = tpu.vector_load_idx %arg5[%add3A_88, %add3A_95] : memref<256x16xi32, #tpu.memory_space<vmem>>[vector<16xi32>, vector<16xi32>], vector<16xi32>,
      %add3A_97 = arith.constant 3 : i32
      %add3A_98 = vector.broadcast %add3A_97 : i32 to vector<16xi32>
      %add3A_99 = arith.addi %broadcast_in_dim3A_8, %add3A_98 : vector<16xi32>
      %gather3A_100 = tpu.vector_load_idx %arg5[%add3A_88, %add3A_99] : memref<256x16xi32, #tpu.memory_space<vmem>>[vector<16xi32>, vector<16xi32>], vector<16xi32>,
      %sub3A = arith.subi %gather3A_92, %gather3A : vector<16xi32>
      %abs3A = math.absi %sub3A : vector<16xi32>
      %sub3A_101 = arith.subi %gather3A_100, %gather3A_96 : vector<16xi32>
      %abs3A_102 = math.absi %sub3A_101 : vector<16xi32>
      %gt3A = arith.cmpi sgt, %gather3A_92, %gather3A : vector<16xi32>
      %gt3A_103 = arith.cmpi sgt, %gather3A_100, %gather3A_96 : vector<16xi32>
      %lt3A = arith.constant 22 : i32
      %lt3A_104 = vector.broadcast %lt3A : i32 to vector<16xi32>
      %lt3A_105 = arith.cmpi slt, %abs3A, %lt3A_104 : vector<16xi32>
      %jit3A = arith.constant 4 : i32
      %jit3A_106 = arith.constant 3 : i32
      %broadcast_in_dim3A_107 = vector.broadcast %jit3A : i32 to vector<16xi32>
      %broadcast_in_dim3A_108 = vector.broadcast %jit3A_106 : i32 to vector<16xi32>
      %select_n3A = arith.select %gt3A, %broadcast_in_dim3A_107, %broadcast_in_dim3A_108 : vector<16xi1>, vector<16xi32>
      %jit3A_109 = arith.constant 1 : i32
      %broadcast_in_dim3A_110 = vector.broadcast %jit3A_109 : i32 to vector<16xi32>
      %select_n3A_111 = arith.select %lt3A_105, %select_n3A, %broadcast_in_dim3A_110 : vector<16xi1>, vector<16xi32>
      %gt3A_112 = arith.constant 24 : i32
      %gt3A_113 = vector.broadcast %gt3A_112 : i32 to vector<16xi32>
      %gt3A_114 = arith.cmpi sgt, %abs3A, %gt3A_113 : vector<16xi32>
      %jit3A_115 = arith.constant 3 : i32
      %jit3A_116 = arith.constant 4 : i32
      %broadcast_in_dim3A_117 = vector.broadcast %jit3A_115 : i32 to vector<16xi32>
      %broadcast_in_dim3A_118 = vector.broadcast %jit3A_116 : i32 to vector<16xi32>
      %select_n3A_119 = arith.select %gt3A, %broadcast_in_dim3A_117, %broadcast_in_dim3A_118 : vector<16xi1>, vector<16xi32>
      %select_n3A_120 = arith.select %gt3A_114, %select_n3A_119, %select_n3A_111 : vector<16xi1>, vector<16xi32>
      %gt3A_121 = arith.constant 2 : i32
      %gt3A_122 = vector.broadcast %gt3A_121 : i32 to vector<16xi32>
      %gt3A_123 = arith.cmpi sgt, %abs3A_102, %gt3A_122 : vector<16xi32>
      %jit3A_124 = arith.constant 5 : i32
      %jit3A_125 = arith.constant 2 : i32
      %broadcast_in_dim3A_126 = vector.broadcast %jit3A_124 : i32 to vector<16xi32>
      %broadcast_in_dim3A_127 = vector.broadcast %jit3A_125 : i32 to vector<16xi32>
      %select_n3A_128 = arith.select %gt3A_103, %broadcast_in_dim3A_126, %broadcast_in_dim3A_127 : vector<16xi1>, vector<16xi32>
      %select_n3A_129 = arith.select %gt3A_123, %select_n3A_128, %select_n3A_120 : vector<16xi1>, vector<16xi32>
      tpu.vector_store_idx %arg8[%select_n3A_129], %broadcast_in_dim3A_6 : memref<16xf32, #tpu.memory_space<vmem>>[vector<16xi32>], vector<16xf32>,
    }
    %scan3A_59 = arith.constant 16 : i32
    %add3A_60 = arith.constant 7680 : i32
    %add3A_61 = arith.addi %mul3A_2, %add3A_60 : i32
    %dma_wait3A_62 = arith.constant 32 : i32
    %dma_wait3A_63 = tpu.memref_slice %arg2[%add3A_61, %dma_wait3A_62] : memref<262144x128xi32, #tpu.memory_space<hbm>> -> memref<256x16xi32, #tpu.memory_space<hbm>>
    %dma_wait3A_64 = arith.constant 32 : i32
    %dma_wait3A_65 = tpu.memref_slice %arg2[%add3A_61, %dma_wait3A_64] : memref<262144x128xi32, #tpu.memory_space<hbm>> -> memref<256x16xi32, #tpu.memory_space<hbm>>
    tpu.wait_dma2 semaphore(%arg11 : memref<!tpu.dma_semaphore, #tpu.memory_space<semaphore_mem>>) src(%dma_wait3A_65 : memref<256x16xi32, #tpu.memory_space<hbm>>) dst(%arg6 : memref<256x16xi32, #tpu.memory_space<vmem>>)
    %scan3A_66 = arith.constant 0 : i32
    %scan3A_67 = arith.constant 0 : i32
    %scan3A_68 = arith.constant 16 : i32
    %scan3A_69 = arith.addi %scan3A_67, %scan3A_68 : i32
    %scan3A_70 = arith.constant 1 : i32
    scf.for %scan3A_84 = %scan3A_67 to %scan3A_69 step %scan3A_70  : i32 {
      %mul3A_85 = arith.constant 16 : i32
      %mul3A_86 = arith.muli %scan3A_84, %mul3A_85 : i32
      %add3A_87 = vector.broadcast %mul3A_86 : i32 to vector<16xi32>
      %add3A_88 = arith.addi %add3A_87, %iota3A : vector<16xi32>
      %gather3A = tpu.vector_load_idx %arg6[%add3A_88, %broadcast_in_dim3A_8] : memref<256x16xi32, #tpu.memory_space<vmem>>[vector<16xi32>, vector<16xi32>], vector<16xi32>,
      %add3A_89 = arith.constant 1 : i32
      %add3A_90 = vector.broadcast %add3A_89 : i32 to vector<16xi32>
      %add3A_91 = arith.addi %broadcast_in_dim3A_8, %add3A_90 : vector<16xi32>
      %gather3A_92 = tpu.vector_load_idx %arg6[%add3A_88, %add3A_91] : memref<256x16xi32, #tpu.memory_space<vmem>>[vector<16xi32>, vector<16xi32>], vector<16xi32>,
      %add3A_93 = arith.constant 2 : i32
      %add3A_94 = vector.broadcast %add3A_93 : i32 to vector<16xi32>
      %add3A_95 = arith.addi %broadcast_in_dim3A_8, %add3A_94 : vector<16xi32>
      %gather3A_96 = tpu.vector_load_idx %arg6[%add3A_88, %add3A_95] : memref<256x16xi32, #tpu.memory_space<vmem>>[vector<16xi32>, vector<16xi32>], vector<16xi32>,
      %add3A_97 = arith.constant 3 : i32
      %add3A_98 = vector.broadcast %add3A_97 : i32 to vector<16xi32>
      %add3A_99 = arith.addi %broadcast_in_dim3A_8, %add3A_98 : vector<16xi32>
      %gather3A_100 = tpu.vector_load_idx %arg6[%add3A_88, %add3A_99] : memref<256x16xi32, #tpu.memory_space<vmem>>[vector<16xi32>, vector<16xi32>], vector<16xi32>,
      %sub3A = arith.subi %gather3A_92, %gather3A : vector<16xi32>
      %abs3A = math.absi %sub3A : vector<16xi32>
      %sub3A_101 = arith.subi %gather3A_100, %gather3A_96 : vector<16xi32>
      %abs3A_102 = math.absi %sub3A_101 : vector<16xi32>
      %gt3A = arith.cmpi sgt, %gather3A_92, %gather3A : vector<16xi32>
      %gt3A_103 = arith.cmpi sgt, %gather3A_100, %gather3A_96 : vector<16xi32>
      %lt3A = arith.constant 22 : i32
      %lt3A_104 = vector.broadcast %lt3A : i32 to vector<16xi32>
      %lt3A_105 = arith.cmpi slt, %abs3A, %lt3A_104 : vector<16xi32>
      %jit3A = arith.constant 4 : i32
      %jit3A_106 = arith.constant 3 : i32
      %broadcast_in_dim3A_107 = vector.broadcast %jit3A : i32 to vector<16xi32>
      %broadcast_in_dim3A_108 = vector.broadcast %jit3A_106 : i32 to vector<16xi32>
      %select_n3A = arith.select %gt3A, %broadcast_in_dim3A_107, %broadcast_in_dim3A_108 : vector<16xi1>, vector<16xi32>
      %jit3A_109 = arith.constant 1 : i32
      %broadcast_in_dim3A_110 = vector.broadcast %jit3A_109 : i32 to vector<16xi32>
      %select_n3A_111 = arith.select %lt3A_105, %select_n3A, %broadcast_in_dim3A_110 : vector<16xi1>, vector<16xi32>
      %gt3A_112 = arith.constant 24 : i32
      %gt3A_113 = vector.broadcast %gt3A_112 : i32 to vector<16xi32>
      %gt3A_114 = arith.cmpi sgt, %abs3A, %gt3A_113 : vector<16xi32>
      %jit3A_115 = arith.constant 3 : i32
      %jit3A_116 = arith.constant 4 : i32
      %broadcast_in_dim3A_117 = vector.broadcast %jit3A_115 : i32 to vector<16xi32>
      %broadcast_in_dim3A_118 = vector.broadcast %jit3A_116 : i32 to vector<16xi32>
      %select_n3A_119 = arith.select %gt3A, %broadcast_in_dim3A_117, %broadcast_in_dim3A_118 : vector<16xi1>, vector<16xi32>
      %select_n3A_120 = arith.select %gt3A_114, %select_n3A_119, %select_n3A_111 : vector<16xi1>, vector<16xi32>
      %gt3A_121 = arith.constant 2 : i32
      %gt3A_122 = vector.broadcast %gt3A_121 : i32 to vector<16xi32>
      %gt3A_123 = arith.cmpi sgt, %abs3A_102, %gt3A_122 : vector<16xi32>
      %jit3A_124 = arith.constant 5 : i32
      %jit3A_125 = arith.constant 2 : i32
      %broadcast_in_dim3A_126 = vector.broadcast %jit3A_124 : i32 to vector<16xi32>
      %broadcast_in_dim3A_127 = vector.broadcast %jit3A_125 : i32 to vector<16xi32>
      %select_n3A_128 = arith.select %gt3A_103, %broadcast_in_dim3A_126, %broadcast_in_dim3A_127 : vector<16xi1>, vector<16xi32>
      %select_n3A_129 = arith.select %gt3A_123, %select_n3A_128, %select_n3A_120 : vector<16xi1>, vector<16xi32>
      tpu.vector_store_idx %arg8[%select_n3A_129], %broadcast_in_dim3A_6 : memref<16xf32, #tpu.memory_space<vmem>>[vector<16xi32>], vector<16xf32>,
    }
    %scan3A_71 = arith.constant 16 : i32
    %add3A_72 = arith.constant 7936 : i32
    %add3A_73 = arith.addi %mul3A_2, %add3A_72 : i32
    %dma_wait3A_74 = arith.constant 32 : i32
    %dma_wait3A_75 = tpu.memref_slice %arg2[%add3A_73, %dma_wait3A_74] : memref<262144x128xi32, #tpu.memory_space<hbm>> -> memref<256x16xi32, #tpu.memory_space<hbm>>
    %dma_wait3A_76 = arith.constant 32 : i32
    %dma_wait3A_77 = tpu.memref_slice %arg2[%add3A_73, %dma_wait3A_76] : memref<262144x128xi32, #tpu.memory_space<hbm>> -> memref<256x16xi32, #tpu.memory_space<hbm>>
    tpu.wait_dma2 semaphore(%arg12 : memref<!tpu.dma_semaphore, #tpu.memory_space<semaphore_mem>>) src(%dma_wait3A_77 : memref<256x16xi32, #tpu.memory_space<hbm>>) dst(%arg7 : memref<256x16xi32, #tpu.memory_space<vmem>>)
    %scan3A_78 = arith.constant 0 : i32
    %scan3A_79 = arith.constant 0 : i32
    %scan3A_80 = arith.constant 16 : i32
    %scan3A_81 = arith.addi %scan3A_79, %scan3A_80 : i32
    %scan3A_82 = arith.constant 1 : i32
    scf.for %scan3A_84 = %scan3A_79 to %scan3A_81 step %scan3A_82  : i32 {
      %mul3A_85 = arith.constant 16 : i32
      %mul3A_86 = arith.muli %scan3A_84, %mul3A_85 : i32
      %add3A_87 = vector.broadcast %mul3A_86 : i32 to vector<16xi32>
      %add3A_88 = arith.addi %add3A_87, %iota3A : vector<16xi32>
      %gather3A = tpu.vector_load_idx %arg7[%add3A_88, %broadcast_in_dim3A_8] : memref<256x16xi32, #tpu.memory_space<vmem>>[vector<16xi32>, vector<16xi32>], vector<16xi32>,
      %add3A_89 = arith.constant 1 : i32
      %add3A_90 = vector.broadcast %add3A_89 : i32 to vector<16xi32>
      %add3A_91 = arith.addi %broadcast_in_dim3A_8, %add3A_90 : vector<16xi32>
      %gather3A_92 = tpu.vector_load_idx %arg7[%add3A_88, %add3A_91] : memref<256x16xi32, #tpu.memory_space<vmem>>[vector<16xi32>, vector<16xi32>], vector<16xi32>,
      %add3A_93 = arith.constant 2 : i32
      %add3A_94 = vector.broadcast %add3A_93 : i32 to vector<16xi32>
      %add3A_95 = arith.addi %broadcast_in_dim3A_8, %add3A_94 : vector<16xi32>
      %gather3A_96 = tpu.vector_load_idx %arg7[%add3A_88, %add3A_95] : memref<256x16xi32, #tpu.memory_space<vmem>>[vector<16xi32>, vector<16xi32>], vector<16xi32>,
      %add3A_97 = arith.constant 3 : i32
      %add3A_98 = vector.broadcast %add3A_97 : i32 to vector<16xi32>
      %add3A_99 = arith.addi %broadcast_in_dim3A_8, %add3A_98 : vector<16xi32>
      %gather3A_100 = tpu.vector_load_idx %arg7[%add3A_88, %add3A_99] : memref<256x16xi32, #tpu.memory_space<vmem>>[vector<16xi32>, vector<16xi32>], vector<16xi32>,
      %sub3A = arith.subi %gather3A_92, %gather3A : vector<16xi32>
      %abs3A = math.absi %sub3A : vector<16xi32>
      %sub3A_101 = arith.subi %gather3A_100, %gather3A_96 : vector<16xi32>
      %abs3A_102 = math.absi %sub3A_101 : vector<16xi32>
      %gt3A = arith.cmpi sgt, %gather3A_92, %gather3A : vector<16xi32>
      %gt3A_103 = arith.cmpi sgt, %gather3A_100, %gather3A_96 : vector<16xi32>
      %lt3A = arith.constant 22 : i32
      %lt3A_104 = vector.broadcast %lt3A : i32 to vector<16xi32>
      %lt3A_105 = arith.cmpi slt, %abs3A, %lt3A_104 : vector<16xi32>
      %jit3A = arith.constant 4 : i32
      %jit3A_106 = arith.constant 3 : i32
      %broadcast_in_dim3A_107 = vector.broadcast %jit3A : i32 to vector<16xi32>
      %broadcast_in_dim3A_108 = vector.broadcast %jit3A_106 : i32 to vector<16xi32>
      %select_n3A = arith.select %gt3A, %broadcast_in_dim3A_107, %broadcast_in_dim3A_108 : vector<16xi1>, vector<16xi32>
      %jit3A_109 = arith.constant 1 : i32
      %broadcast_in_dim3A_110 = vector.broadcast %jit3A_109 : i32 to vector<16xi32>
      %select_n3A_111 = arith.select %lt3A_105, %select_n3A, %broadcast_in_dim3A_110 : vector<16xi1>, vector<16xi32>
      %gt3A_112 = arith.constant 24 : i32
      %gt3A_113 = vector.broadcast %gt3A_112 : i32 to vector<16xi32>
      %gt3A_114 = arith.cmpi sgt, %abs3A, %gt3A_113 : vector<16xi32>
      %jit3A_115 = arith.constant 3 : i32
      %jit3A_116 = arith.constant 4 : i32
      %broadcast_in_dim3A_117 = vector.broadcast %jit3A_115 : i32 to vector<16xi32>
      %broadcast_in_dim3A_118 = vector.broadcast %jit3A_116 : i32 to vector<16xi32>
      %select_n3A_119 = arith.select %gt3A, %broadcast_in_dim3A_117, %broadcast_in_dim3A_118 : vector<16xi1>, vector<16xi32>
      %select_n3A_120 = arith.select %gt3A_114, %select_n3A_119, %select_n3A_111 : vector<16xi1>, vector<16xi32>
      %gt3A_121 = arith.constant 2 : i32
      %gt3A_122 = vector.broadcast %gt3A_121 : i32 to vector<16xi32>
      %gt3A_123 = arith.cmpi sgt, %abs3A_102, %gt3A_122 : vector<16xi32>
      %jit3A_124 = arith.constant 5 : i32
      %jit3A_125 = arith.constant 2 : i32
      %broadcast_in_dim3A_126 = vector.broadcast %jit3A_124 : i32 to vector<16xi32>
      %broadcast_in_dim3A_127 = vector.broadcast %jit3A_125 : i32 to vector<16xi32>
      %select_n3A_128 = arith.select %gt3A_103, %broadcast_in_dim3A_126, %broadcast_in_dim3A_127 : vector<16xi1>, vector<16xi32>
      %select_n3A_129 = arith.select %gt3A_123, %select_n3A_128, %select_n3A_120 : vector<16xi1>, vector<16xi32>
      tpu.vector_store_idx %arg8[%select_n3A_129], %broadcast_in_dim3A_6 : memref<16xf32, #tpu.memory_space<vmem>>[vector<16xi32>], vector<16xf32>,
    }
    %scan3A_83 = arith.constant 16 : i32
    "tpu.region"() ({
      %run_scoped3A = tpu.sem_alloc : memref<!tpu.dma_semaphore, #tpu.memory_space<semaphore_mem>>
      %dma_start3A_84 = arith.constant 0 : i32
      %dma_start3A_85 = tpu.memref_slice %arg3[%add3A, %dma_start3A_84] : memref<32x128xf32, #tpu.memory_space<hbm>> -> memref<1x16xf32, #tpu.memory_space<hbm>>
      %dma_start3A_86 = tpu.memref_squeeze %dma_start3A_85 : memref<1x16xf32, #tpu.memory_space<hbm>> -> memref<16xf32, #tpu.memory_space<hbm>>
      %dma_start3A_87 = arith.constant 0 : i32
      %dma_start3A_88 = tpu.memref_slice %arg3[%add3A, %dma_start3A_87] : memref<32x128xf32, #tpu.memory_space<hbm>> -> memref<1x16xf32, #tpu.memory_space<hbm>>
      %dma_start3A_89 = tpu.memref_squeeze %dma_start3A_88 : memref<1x16xf32, #tpu.memory_space<hbm>> -> memref<16xf32, #tpu.memory_space<hbm>>
      tpu.enqueue_dma source(%arg8 : memref<16xf32, #tpu.memory_space<vmem>>) target(%dma_start3A_89 : memref<16xf32, #tpu.memory_space<hbm>>) target_semaphore(%run_scoped3A : memref<!tpu.dma_semaphore, #tpu.memory_space<semaphore_mem>>)
      %dma_wait3A_90 = arith.constant 0 : i32
      %dma_wait3A_91 = tpu.memref_slice %arg3[%add3A, %dma_wait3A_90] : memref<32x128xf32, #tpu.memory_space<hbm>> -> memref<1x16xf32, #tpu.memory_space<hbm>>
      %dma_wait3A_92 = tpu.memref_squeeze %dma_wait3A_91 : memref<1x16xf32, #tpu.memory_space<hbm>> -> memref<16xf32, #tpu.memory_space<hbm>>
      %dma_wait3A_93 = arith.constant 0 : i32
      %dma_wait3A_94 = tpu.memref_slice %arg3[%add3A, %dma_wait3A_93] : memref<32x128xf32, #tpu.memory_space<hbm>> -> memref<1x16xf32, #tpu.memory_space<hbm>>
      %dma_wait3A_95 = tpu.memref_squeeze %dma_wait3A_94 : memref<1x16xf32, #tpu.memory_space<hbm>> -> memref<16xf32, #tpu.memory_space<hbm>>
      tpu.wait_dma2 semaphore(%run_scoped3A : memref<!tpu.dma_semaphore, #tpu.memory_space<semaphore_mem>>) src(%arg8 : memref<16xf32, #tpu.memory_space<vmem>>) dst(%dma_wait3A_95 : memref<16xf32, #tpu.memory_space<hbm>>)
      tpu.yield
    }) : () -> ()
    return
  }
}

module attributes {stable_mosaic.version = 14 : i64} {
  func.func @_stage2_body(%arg0: memref<32x128xf32, #tpu.memory_space<vmem>>, %arg1: memref<1x6xf32, #tpu.memory_space<vmem>>) attributes {dimension_semantics = [], scalar_prefetch = 0 : i64, scratch_operands = 0 : i64, tpu.core_type = #tpu.core_type<tc>} {
    %get3A = arith.constant 0 : index
    %get3A_0 = arith.constant 0 : index
    %get3A_1 = vector.load %arg0[%get3A, %get3A_0] : memref<32x128xf32, #tpu.memory_space<vmem>>, vector<32x128xf32>
    %slice3A = vector.extract_strided_slice %get3A_1 {offsets = [0, 0], sizes = [32, 6], strides = [1, 1]} : vector<32x128xf32> to vector<32x6xf32>
    %reduce_max3A = arith.constant dense<0xFF800000> : vector<6xf32>
    %reduce_max3A_2 = vector.multi_reduction <maximumf>, %slice3A, %reduce_max3A [0] : vector<32x6xf32> to vector<6xf32>
    %broadcast_in_dim3A = vector.shape_cast %reduce_max3A_2 : vector<6xf32> to vector<1x6xf32>
    %swap3A = arith.constant 0 : index
    %swap3A_3 = arith.constant 0 : index
    %swap3A_4 = vector.load %arg1[%swap3A, %swap3A_3] : memref<1x6xf32, #tpu.memory_space<vmem>>, vector<1x6xf32>
    tpu.vector_store %arg1[%swap3A, %swap3A_3], %broadcast_in_dim3A {strides = array<i32>} : memref<1x6xf32, #tpu.memory_space<vmem>>, vector<1x6xf32>,
    return
  }
}

</mosaic_0001>

<sc_bundles>
// kernel: kernel.4.cloned.1.call-start
scs
__scs_entry_jumppad:
0x0: {  	(pc) =	sbr.rel $0x88, $3  }
0x1: {  	(tag) =	ssettag $0x0;
	lr =	simm.s32 $0x1  }
0x2: {  	[smem:$0x3FA0] =	sst lr;
	_ =	strace $0xD0000000  }
0x3: {  	_ = 	snop  }
0x4: {  	_ = 	snop  }
0x5: {  	_ = 	snop  }
0x6: {  	_ = 	snop  }
0x7: {  	_ = 	snop  }
__scs_overlays_trampoline_lowered:
0x8: {  	[smem:$0x3FAF] =	sst s0  }
0x9: {  	[smem:$0x3FB0] =	sst s1  }
0xa: {  	[smem:$0x3FB1] =	sst s2  }
0xb: {  	[smem:$0x3FB2] =	sst s3  }
0xc: {  	[smem:$0x3FB3] =	sst s4  }
0xd: {  	[smem:$0x3FB4] =	sst s5  }
0xe: {  	[smem:$0x3FB5] =	sst s6  }
0xf: {  	[smem:$0x3FB6] =	sst s7  }
0x10: {  	[smem:$0x3FB7] =	sst s8  }
0x11: {  	[smem:$0x3FB8] =	sst s9;
	s0 =	simm.s32 @!p0 $0x0  }
0x12: {  	s1 =	sld [smem:$0x3F9E];
	s0 =	simm.s32 @p0 $0x1  }
0x13: {  	[smem:$0x3FB9] =	sst s0;
	s0 =	simm.s32 @!p1 $0x0  }
0x14: {  	s2 =	sld [smem:$0x3F9D];
	s0 =	simm.s32 @p1 $0x1  }
0x15: {  	[smem:$0x3FBA] =	sst s0;
	s0 =	simm.s32 @!p2 $0x0  }
0x16: {  	s3 =	sld [smem:$0x3FDB];
	s0 =	simm.s32 @p2 $0x1  }
0x17: {  	s4 =	simm.s32 $0x1BF5;
	[smem:$0x3FBC] =	sst s0  }
0x18: {  	s0 =	sld [smem:$0x3F9F];
	_ =	swait.ge [sflag:s4], $0x0  }
0x19: {  	s7 =	sld [smem:$0x3FA0]  }
0x1a: {  	s8 =	sadd.s32 $0xFFFFE003, lr  }
0x1b: {  	s9 =	sadd.s32 $0xFFFFFEF7, lr;
	s5 =	simm.s32 $0xFFFFFFFF;
	p2 =	slt.u32 s8, $0xFFFFF086  }
0x1c: {  	p1 =	slt.u32 s9, $0xF7A;
	s5 =	simm.s32 @!p2 $0x0  }
0x1d: {  	s5 =	simm.s32 @p1 $0x1;
	p0 =	seq.s32 s7, s2  }
0x1e: {  	s7 =	smul.u32 @!p0 $0xF7A, s2;
	p2 =	seq.s32 @!p0 s5, $0x0  }
0x1f: {  	s9 =	smul.u32 $0xF7A, s1;
	s8 =	simm.s32 @!p0 $0x1BF5;
	p2 =	por !p2, p0  }
0x20: {  	[sflag:s8] =	ssyncset.s32 @!p0 $0xFFFFF086;
	s6 =	sadd.s32 @!p0 s3, s7;
	s7 =	simm.s32 @!p0 $0x108  }
0x21: {  	s3 =	sadd.s32 s3, s9;
	s6 =	sadd.s32 @!p0 $0x88, s6;
	s7 =	simm.s32 @p2 $0x1082  }
0x22: {  	[simem:s7], [sflag:s8] =	dma.local @!p0 [hbm:s6], $0xF7A  }
0x23: {  	s9 =	sor.u32 $0xD0000000, s2;
	s6 =	simm.s32 $0x108;
	_ =	swait.ge @!p0 [sflag:s8], $0x0  }
0x24: {  	s3 =	sadd.s32 $0x88, s3;
	s6 =	simm.s32 @!p1 $0x1082;
	[sflag:s4] =	ssyncset.s32 $0xFFFFF086  }
0x25: {  	[simem:s6], [sflag:s4] =	dma.local [hbm:s3], $0xF7A  }
0x26: {  	[smem:$0x3FA0] =	sst s1;
	(tag) =	ssettag s2;
	_ =	strace s9  }
0x27: {  	s1 =	sld [smem:$0x3FB0]  }
0x28: {  	s2 =	sld [smem:$0x3FB1]  }
0x29: {  	s4 =	sld [smem:$0x3FB3]  }
0x2a: {  	p0 =	seq.s32 s5, $0x0;
	s5 =	sld [smem:$0x3FB4]  }
0x2b: {  	s6 =	sld [smem:$0x3FB5]  }
0x2c: {  	s7 =	sld [smem:$0x3FB6]  }
0x2d: {  	s3 =	simm.s32 $0x108;
	s8 =	sld [smem:$0x3FB7]  }
0x2e: {  	s3 =	simm.s32 @!p0 $0x1082;
	s9 =	sld [smem:$0x3FB8]  }
0x2f: {  	lr =	sadd.s32 s0, s3;
	s0 =	sld [smem:$0x3FAF]  }
0x30: {  	s3 =	sld [smem:$0x3FB2]  }
0x31: {  	[smem:$0x3FBB] =	sst s10  }
0x32: {  	s10 =	sld [smem:$0x3FB9];
	_ =	sdelay $0x3  }
0x33: {  	p0 =	seq.s32 s10, $0x1;
	s10 =	sld [smem:$0x3FBB];
	_ =	sdelay $0x3  }
0x34: {  	[smem:$0x3FBB] =	sst s10  }
0x35: {  	s10 =	sld [smem:$0x3FBA];
	_ =	sdelay $0x3  }
0x36: {  	p1 =	seq.s32 s10, $0x1;
	s10 =	sld [smem:$0x3FBB];
	_ =	sdelay $0x3  }
0x37: {  	[smem:$0x3FBB] =	sst s10  }
0x38: {  	s10 =	sld [smem:$0x3FBC]  }
0x39: {  	_ = 	snop;
	(pc) =	sbr.ind lr, $3  }
0x3a: {  	_ = 	snop  }
0x3b: {  	_ = 	snop  }
0x3c: {  	p2 =	seq.s32 s10, $0x1;
	s10 =	sld [smem:$0x3FBB]  }
0x3d: {  	_ =	shalt  }
0x3e: {  	_ =	shalt  }
0x3f: {  	_ =	shalt  }
0x40: {  	_ =	shalt  }
0x41: {  	_ =	shalt  }
0x42: {  	_ =	shalt  }
0x43: {  	_ =	shalt  }
0x44: {  	_ =	shalt  }
0x45: {  	_ =	shalt  }
0x46: {  	_ =	shalt  }
0x47: {  	_ =	shalt  }
0x48: {  	_ =	shalt  }
0x49: {  	_ =	shalt  }
0x4a: {  	_ =	shalt  }
0x4b: {  	_ =	shalt  }
0x4c: {  	_ =	shalt  }
0x4d: {  	_ =	shalt  }
0x4e: {  	_ =	shalt  }
0x4f: {  	_ =	shalt  }
0x50: {  	_ =	shalt  }
0x51: {  	_ =	shalt  }
0x52: {  	_ =	shalt  }
0x53: {  	_ =	shalt  }
0x54: {  	_ =	shalt  }
0x55: {  	_ =	shalt  }
0x56: {  	_ =	shalt  }
0x57: {  	_ =	shalt  }
0x58: {  	_ =	shalt  }
0x59: {  	_ =	shalt  }
0x5a: {  	_ =	shalt  }
0x5b: {  	_ =	shalt  }
0x5c: {  	_ =	shalt  }
0x5d: {  	_ =	shalt  }
0x5e: {  	_ =	shalt  }
0x5f: {  	_ =	shalt  }
0x60: {  	_ =	shalt  }
0x61: {  	_ =	shalt  }
0x62: {  	_ =	shalt  }
0x63: {  	_ =	shalt  }
0x64: {  	_ =	shalt  }
0x65: {  	_ =	shalt  }
0x66: {  	_ =	shalt  }
0x67: {  	_ =	shalt  }
0x68: {  	_ =	shalt  }
0x69: {  	_ =	shalt  }
0x6a: {  	_ =	shalt  }
0x6b: {  	_ =	shalt  }
0x6c: {  	_ =	shalt  }
0x6d: {  	_ =	shalt  }
0x6e: {  	_ =	shalt  }
0x6f: {  	_ =	shalt  }
0x70: {  	_ =	shalt  }
0x71: {  	_ =	shalt  }
0x72: {  	_ =	shalt  }
0x73: {  	_ =	shalt  }
0x74: {  	_ =	shalt  }
0x75: {  	_ =	shalt  }
0x76: {  	_ =	shalt  }
0x77: {  	_ =	shalt  }
0x78: {  	_ =	shalt  }
0x79: {  	_ =	shalt  }
0x7a: {  	_ =	shalt  }
0x7b: {  	_ =	shalt  }
0x7c: {  	_ =	shalt  }
0x7d: {  	_ =	shalt  }
0x7e: {  	_ =	shalt  }
0x7f: {  	_ =	shalt  }
0x80: {  	_ =	shalt  }
0x81: {  	_ =	shalt  }
0x82: {  	_ =	shalt  }
0x83: {  	_ =	shalt  }
0x84: {  	_ =	shalt  }
0x85: {  	_ =	shalt  }
0x86: {  	_ =	shalt  }
0x87: {  	_ =	shalt  }
.Lfunc_end0:
.L_simem_size_0:
called_computation_lowered:
.L_overlay_start_0:
0x88: {  	s2 =	sld [smem:$0x3FD9]  }
0x89: {  	s3 =	sld [smem:$0x3FFE];
	_ =	sdelay $0x1  }
0x8a: {  	s1 =	srdreg.scid  }
0x8b: {  	s0 =	sand.u32 $0x1, s1  }
0x8c: {  	s17 =	sshll.u32 s0, $0xA;
	s2 =	sadd.s32 s3, s2  }
0x8d: {  	s2 =	sadd.s32 s2, s17  }
0x8e: {  	[smem:$0x3FC7] =	sst s2  }
0x8f: {  	_ = 	snop  }
0x90: {  	s2 =	sld [smem:$0x3FC9];
	(tm) =	ssettm $0x1  }
0x91: {  	s18 =	sld [smem:$0x3FFB];
	_ =	sdelay $0x3  }
0x92: {  	_ =	strace s18  }
0x93: {  	s3 =	sld [smem:$0x3FFC];
	_ =	sdelay $0x3  }
0x94: {  	_ =	strace s3  }
0x95: {  	s3 =	sld [smem:$0x3FFD];
	_ =	sdelay $0x3  }
0x96: {  	_ =	strace s3  }
0x97: {  	_ =	strace $0x8FFFFFFF  }
0x98: {  	s19 =	sld [smem:$0x3FDB];
	_ =	sdelay $0x1  }
0x99: {  	s4 =	simm.s32 $_scs_section_size  }
0x9a: {  	s5 =	simm.s32 $_size__tile_overlayer_lowered;
	s6 =	simm.s32 $_tile_overlayer_lowered  }
0x9b: {  	s22 =	simm.s32 $0x1BFF;
	s21 =	sshll.u32 s6, $0x1;
	s3 =	sadd.s32 s4, s19  }
0x9c: {  	s7 =	simm.s32 $0x0;
	s20 =	sshll.u32 s5, $0x1;
	s5 =	sadd.s32 s21, s3  }
0x9d: {  	[timem:s7], [sflag:s22] =	dma.local [hbm:s5], s20  }
0x9e: {  	_ =	swait.ge [sflag:s22], s20  }
0x9f: {  	s4 =	ssub.s32 $0x0, s20;
	[sflag:s22] =	ssyncset.done $0x0  }
0xa0: {  	[sflag:s22] =	ssyncadd.s32 s4;
	_ =	sdelay $0x1  }
0xa1: {  	s23 =	simm.s32 $0x1B8B  }
0xa2: {  	_ =	swait.ge [sflag:s23], $0x1  }
0xa3: {  	[sflag:s23] =	ssyncset.done $0x0  }
0xa4: {  	s25 =	simm.s32 $0x1B8E;
	s24 =	sld [smem:$0x3FFE];
	[sflag:s23] =	ssyncadd.s32 $0xFFFFFFFF  }
0xa5: {  	s26 =	simm.s32 $execute0_lowered;
	[smem:$0x3FD2] =	sst s25  }
0xa6: {  	s5 =	sshll.u32 s26, $0x1;
	_ =	strace $0x80000046;
	[dreg:$0x1] =	wrdreg $0xFFFFFFFF  }
0xa7: {  	s28 =	simm.s32 $_size_execute0_lowered;
	s3 =	sadd.s32 s3, s5;
	[dreg:$0x0] =	wrdreg $0x0  }
0xa8: {  	s5 =	sshll.u32 s28, $0x1;
	[dreg:$0x2] =	wrdreg s3  }
0xa9: {  	[dreg:$0x3] =	wrdreg s5  }
0xaa: {  	[dreg:$0x4] =	wrdreg $0xC0  }
0xab: {  	_ =	task [dreg:s7], $0x5FFFF  }
0xac: {  	[dreg:$0x1] =	wrdreg $0xFFFFFFFF  }
0xad: {  	[dreg:$0x0] =	wrdreg $0x60  }
0xae: {  	[dreg:$0x2] =	wrdreg s2  }
0xaf: {  	[dreg:$0x3] =	wrdreg s24  }
0xb0: {  	[dreg:$0x4] =	wrdreg $0x9  }
0xb1: {  	_ =	task.clear_ibuf [dreg:s7], $0x5FFFF;
	_ =	strace $0x90000046  }
0xb2: {  	s29 =	simm.s32 $0x9;
	_ =	strace $0x80000048  }
0xb3: {  	_ =	swait.ge [sflag:s29], $0x1  }
0xb4: {  	[sflag:s29] =	ssyncadd.s32 $0xFFFFFFFF  }
0xb5: {  	_ =	strace $0x90000048  }
0xb6: {  	_ =	sfence  }
0xb7: {  	s30 =	sld [smem:$0x0];
	_ =	sdelay $0x2  }
0xb8: {  	s31 =	sshll.u32 s1, $0xD;
	s1 =	sshrl.u32 s1, $0x2  }
0xb9: {  	s3 =	sand.u32 $0x4000, s31;
	s1 =	sadd.s32 s1, s30  }
0xba: {  	s0 =	sor.u32 s3, s0;
	s1 =	sshll.u32 s1, $0x11  }
0xbb: {  	s0 =	sor.u32 s1, s0  }
0xbc: {  	s0 =	sadd.s32 $0x8F2B, s0  }
0xbd: {  	[sflag:s0] =	ssyncadd.remote.s32 $0x1  }
0xbe: {  	_ =	sfence.sel $0xFFFF  }
0xbf: {  	[dreg:$0x0] =	wrdreg $0xFFFFFFFF;
	(pc) =	sbr.abs _section_cstart, $3  }
0xc0: {  	[dreg:$0x1] =	wrdreg $0xFFFFFFFF  }
0xc1: {  	_ =	task.clear_ibuf [dreg:s7], $0x2FFFF;
	_ =	strace $0x9FFFFFFF  }
0xc2: {  	(tm) =	ssettm $0x7FFFFFFF  }
0xc3: {  	_ =	shalt  }
tec
execute0_lowered:
.L_overlay_start_1:
0x0: {  	(tag) =	ssettag $0x1  }
0x1: {  	s5 =	rddreg [dreg:$0x0]  }
0x2: {  	s1 =	srdreg.scid;
	s0 =	stileid.u32  }
0x3: {  	s3 =	rddreg [dreg:$0x1];
	s2 =	simm.s32 $0x0;
	s14 =	simm.s32 $0x10  }
0x4: {  	s15 =	simm.s32 $0x80;
	s16 =	simm.s32 $0x1000;
	s17 =	simm.s32 $0x2000  }
0x5: {  	s18 =	simm.s32 $0x3000;
	s19 =	simm.s32 $0x1;
	s20 =	simm.s32 $0x4000  }
0x6: {  	s21 =	simm.s32 $0x2;
	s22 =	simm.s32 $0x3;
	s23 =	simm.s32 $0x4  }
0x7: {  	s24 =	simm.s32 $0x5;
	s4 =	sand.u32 $0x1, s1;
	s1 =	rddreg [dreg:$0x2]  }
0x8: {  	s25 =	simm.s32 $0x0;
	s6 =	sshll.u32 s0, $0x1;
	[smem:$0x7FF] =	sst s2  }
0x9: {  	s6 =	sor.u32 s4, s6;
	s4 =	ssub.s32 $0x2, s4;
	_ =	strace $0x80000047  }
0xa: {  	s7 =	sshll.u32 s6, $0x4;
	s30 =	sshrl.u32 s4, $0x1;
	s31 =	sshll.u32 s6, $0x11  }
0xb: {  	s11 =	sshll.u32 s6, $0xD;
	s12 =	sadd.s32 s7, s3;
	s13 =	ssub.s32 s4, s30  }
0xc: {  	s3 =	sadd.s32 $0x4, s5;
	s7 =	sadd.s32 s31, s5;
	s8 =	sor.u32 $0x400, s11  }
0xd: {  	v1 =	vlaneseq.u32;
	s9 =	sor.u32 $0x500, s11;
	s10 =	sor.u32 $0x600, s11;
	s11 =	sor.u32 $0x700, s11  }
0xe: {  	v0 =	vimm.f32 $0.0e+00;
	v2 =	vimm.s32 $0x4;
	v3 =	vimm.s32 $0x2;
	s4 =	sadd.s32 s31, s3;
	s5 =	sadd.s32 $0x1004, s7;
	s6 =	sadd.s32 $0x2004, s7  }
0xf: {  	v4 =	vimm.s32 $0x3;
	v5 =	vimm.f32 $1.000000000e+00;
	v1 =	vmul.u32 $0x10, v1;
	s7 =	sadd.s32 $0x3004, s7;
	s12 =	sadd.s32 $0x600, s12;
	s13 =	smax.u32 s13, $0x1  }
.LBB2_1:
0x10: {  	[tilespmem:$0x4000] =	vst v0  }
0x11: {  	[tilespmem:s2], [sflag:$0x1] =	stream.strided.gather [hbm4b:s4+s14], $0x1000, s15, s14, $0x38;
	[tilespmem:$0x4010] =	vst v63  }
0x12: {  	_ = 	snop  }
0x13: {  	[tilespmem:s16], [sflag:$0x2] =	stream.strided.gather [hbm4b:s5+s14], $0x1000, s15, s14, $0x38;
	[tilespmem:$0x4010] =	vst v63  }
0x14: {  	_ = 	snop  }
0x15: {  	[tilespmem:s17], [sflag:$0x3] =	stream.strided.gather [hbm4b:s6+s14], $0x1000, s15, s14, $0x38;
	[tilespmem:$0x4010] =	vst v63  }
0x16: {  	s26 =	simm.s32 $0x0  }
0x17: {  	[tilespmem:s18], [sflag:$0x4] =	stream.strided.gather [hbm4b:s7+s14], $0x1000, s15, s14, $0x38;
	[tilespmem:$0x4010] =	vst v63  }
.LBB2_2:
0x18: {  	s28 =	simm.s32 $0x0  }
0x19: {  	v6 =	vmov s28  }
0x1a: {  	v6 =	vshll.u32 v6, $0x4  }
0x1b: {  	v6 =	vor.u32 v1, v6  }
0x1c: {  	v7 =	vor.u32 $0x1, v6  }
0x1d: {  	_ =	swait.ge [sflag:s19], $0x1000;
	v8 =	vor.u32 $0x3, v6  }
0x1e: {  	[sflag:s19] =	ssyncset.done $0x0;
	v9 =	vor.u32 $0x2, v6  }
0x1f: {  	[sflag:s19] =	ssyncadd.s32 $0xFFFFF000  }
0x20: {  	v6 =	vld.idx.msk [tilespmem:v6+s2+$0x0], $0xffff  }
0x21: {  	v7 =	vld.idx.msk [tilespmem:v7+s2+$0x0], $0xffff  }
0x22: {  	v8 =	vld.idx.msk [tilespmem:v8+s2+$0x0], $0xffff  }
0x23: {  	v9 =	vld.idx.msk [tilespmem:v9+s2+$0x0], $0xffff;
	_ =	sdelay $0x3  }
0x24: {  	v10 =	vsub.s32 v7, v6;
	vm0 =	vgt.s32 v7, v6  }
0x25: {  	vm13 =	vgt.s32 v8, v9;
	v6 =	vsub.s32 $0x0, v10;
	v7 =	vsel vm0, $0x4, v4  }
0x26: {  	v11 =	vsel vm0, $0x3, v2;
	v6 =	vmin.u32 v10, v6;
	v10 =	vsub.s32 v8, v9  }
0x27: {  	v9 =	vsel vm13, $0x5, v3;
	v8 =	vsub.s32 $0x0, v10;
	vm1 =	vlt.s32 v6, $0x16  }
0x28: {  	s28 =	simm.s32 $0x10;
	vm14 =	vgt.s32 v6, $0x18;
	v8 =	vmin.u32 v10, v8;
	v7 =	vnsel vm1, $0x1, v7  }
0x29: {  	v6 =	vmov s28;
	v7 =	vsel vm14, v11, v7;
	vm15 =	vgt.s32 v8, $0x2  }
0x2a: {  	v6 =	vshll.u32 v6, $0x4;
	v9 =	vsel vm15, v9, v7  }
0x2b: {  	v7 =	vor.u32 v1, v6  }
0x2c: {  	s28 =	simm.s32 $0x20;
	v8 =	vor.u32 $0x1, v7;
	v6 =	vor.u32 $0x2, v7;
	v10 =	vor.u32 $0x3, v7  }
.LBB2_3:
0x2d: {  	_ =	sdelay $0x1  }
0x2e: {  	p0 =	sne.s32 s28, $0xF0;
	[tilespmem:v9+s20+$0x0] =	vst.idx.msk $0xffff, v5;
	s29 =	smov.u32 s28;
	s28 =	sadd.s32 $0x10, s28  }
0x2f: {  	v7 =	vld.idx.msk [tilespmem:v7+s2+$0x0], $0xffff  }
0x30: {  	v8 =	vld.idx.msk [tilespmem:v8+s2+$0x0], $0xffff  }
0x31: {  	v9 =	vld.idx.msk [tilespmem:v10+s2+$0x0], $0xffff  }
0x32: {  	v6 =	vld.idx.msk [tilespmem:v6+s2+$0x0], $0xffff;
	_ =	sdelay $0x3  }
0x33: {  	v10 =	vsub.s32 v8, v7;
	vm0 =	vgt.s32 v8, v7  }
0x34: {  	v7 =	vsub.s32 $0x0, v10;
	v8 =	vsel vm0, $0x4, v4;
	v11 =	vsel vm0, $0x3, v2  }
0x35: {  	v7 =	vmin.u32 v10, v7;
	v10 =	vsub.s32 v9, v6;
	vm0 =	vgt.s32 v9, v6  }
0x36: {  	v6 =	vsub.s32 $0x0, v10;
	vm1 =	vlt.s32 v7, $0x16;
	v9 =	vsel vm0, $0x5, v3  }
.Ltmp0:
0x37: {  	vm0 =	vgt.s32 v7, $0x18;
	v6 =	vmin.u32 v10, v6;
	v8 =	vnsel vm1, $0x1, v8;
	(pc) =	sbr.rel @p0 .LBB2_3-.Ltmp0, $4  }
0x38: {  	v7 =	vmov s29;
	v8 =	vsel vm0, v11, v8;
	vm0 =	vgt.s32 v6, $0x2  }
0x39: {  	v6 =	vshll.u32 v7, $0x4;
	v9 =	vsel vm0, v9, v8  }
0x3a: {  	v7 =	vor.u32 v1, v6  }
0x3b: {  	v8 =	vor.u32 $0x1, v7;
	v6 =	vor.u32 $0x2, v7;
	v10 =	vor.u32 $0x3, v7  }
0x3c: {  	_ =	sdelay $0x3  }
0x3d: {  	[tilespmem:v9+s20+$0x0] =	vst.idx.msk $0xffff, v5  }
0x3e: {  	v7 =	vld.idx.msk [tilespmem:v7+s2+$0x0], $0xffff  }
0x3f: {  	v8 =	vld.idx.msk [tilespmem:v8+s2+$0x0], $0xffff  }
0x40: {  	v9 =	vld.idx.msk [tilespmem:v10+s2+$0x0], $0xffff  }
0x41: {  	v6 =	vld.idx.msk [tilespmem:v6+s2+$0x0], $0xffff;
	_ =	sdelay $0x3  }
0x42: {  	v10 =	vsub.s32 v8, v7  }
0x43: {  	vm0 =	vgt.s32 v8, v7;
	vm8 =	vgt.s32 v9, v6;
	v7 =	vsub.s32 $0x0, v10  }
0x44: {  	v8 =	vsel vm0, $0x4, v4;
	v7 =	vmin.u32 v10, v7;
	v10 =	vsub.s32 v9, v6  }
0x45: {  	v11 =	vsel vm0, $0x3, v2;
	v6 =	vsub.s32 $0x0, v10;
	vm1 =	vlt.s32 v7, $0x16  }
0x46: {  	vm9 =	vgt.s32 v7, $0x18;
	v6 =	vmin.u32 v10, v6;
	v8 =	vnsel vm1, $0x1, v8  }
0x47: {  	v7 =	vsel vm8, $0x5, v3;
	v8 =	vsel vm9, v11, v8;
	vm10 =	vgt.s32 v6, $0x2  }
0x48: {  	v6 =	vsel vm10, v7, v8  }
0x49: {  	s28 =	sshll.u32 s26, $0xA  }
0x4a: {  	s30 =	simm.s32 $0x0;
	s29 =	sadd.s32 s28, s8  }
0x4b: {  	s29 =	sshll.u32 s29, $0x4;
	v7 =	vmov s30  }
0x4c: {  	s29 =	sand.u32 $0x1FFFC000, s29;
	v7 =	vshll.u32 v7, $0x4  }
0x4d: {  	s29 =	sadd.s32 s29, s3;
	[tilespmem:v6+s20+$0x0] =	vst.idx.msk $0xffff, v5;
	v6 =	vor.u32 v1, v7  }
0x4e: {  	[tilespmem:s30], [sflag:$0x1] =	stream.strided.gather [hbm4b:s29+s14], $0x1000, s15, s14, $0x38;
	v7 =	vor.u32 $0x1, v6;
	[tilespmem:$0x4010] =	vst v63  }
0x4f: {  	v8 =	vor.u32 $0x3, v6;
	_ =	swait.ge [sflag:s21], $0x1000  }
0x50: {  	v9 =	vor.u32 $0x2, v6;
	[sflag:s21] =	ssyncset.done $0x0  }
0x51: {  	[sflag:s21] =	ssyncadd.s32 $0xFFFFF000  }
0x52: {  	v6 =	vld.idx.msk [tilespmem:v6+s16+$0x0], $0xffff  }
0x53: {  	v7 =	vld.idx.msk [tilespmem:v7+s16+$0x0], $0xffff  }
0x54: {  	v8 =	vld.idx.msk [tilespmem:v8+s16+$0x0], $0xffff  }
0x55: {  	v9 =	vld.idx.msk [tilespmem:v9+s16+$0x0], $0xffff;
	_ =	sdelay $0x3  }
0x56: {  	v10 =	vsub.s32 v7, v6;
	vm11 =	vgt.s32 v7, v6  }
0x57: {  	vm12 =	vgt.s32 v8, v9;
	v6 =	vsub.s32 $0x0, v10;
	v7 =	vsel vm11, $0x4, v4  }
0x58: {  	v11 =	vsel vm11, $0x3, v2;
	v6 =	vmin.u32 v10, v6;
	v10 =	vsub.s32 v8, v9  }
0x59: {  	v9 =	vsel vm12, $0x5, v3;
	v8 =	vsub.s32 $0x0, v10;
	vm13 =	vlt.s32 v6, $0x16  }
0x5a: {  	s29 =	simm.s32 $0x10;
	vm14 =	vgt.s32 v6, $0x18;
	v8 =	vmin.u32 v10, v8;
	v7 =	vnsel vm13, $0x1, v7  }
0x5b: {  	v6 =	vmov s29;
	v7 =	vsel vm14, v11, v7;
	vm15 =	vgt.s32 v8, $0x2  }
0x5c: {  	v6 =	vshll.u32 v6, $0x4;
	v9 =	vsel vm15, v9, v7  }
0x5d: {  	v7 =	vor.u32 v1, v6  }
0x5e: {  	s29 =	simm.s32 $0x20;
	v8 =	vor.u32 $0x1, v7;
	v6 =	vor.u32 $0x2, v7;
	v10 =	vor.u32 $0x3, v7  }
.LBB2_5:
0x5f: {  	_ =	sdelay $0x1  }
0x60: {  	p0 =	sne.s32 s29, $0xF0;
	[tilespmem:v9+s20+$0x0] =	vst.idx.msk $0xffff, v5;
	s30 =	smov.u32 s29;
	s29 =	sadd.s32 $0x10, s29  }
0x61: {  	v7 =	vld.idx.msk [tilespmem:v7+s16+$0x0], $0xffff  }
0x62: {  	v8 =	vld.idx.msk [tilespmem:v8+s16+$0x0], $0xffff  }
0x63: {  	v9 =	vld.idx.msk [tilespmem:v10+s16+$0x0], $0xffff  }
0x64: {  	v6 =	vld.idx.msk [tilespmem:v6+s16+$0x0], $0xffff;
	_ =	sdelay $0x3  }
0x65: {  	v10 =	vsub.s32 v8, v7;
	vm0 =	vgt.s32 v8, v7  }
0x66: {  	v7 =	vsub.s32 $0x0, v10;
	v8 =	vsel vm0, $0x4, v4;
	v11 =	vsel vm0, $0x3, v2  }
0x67: {  	v7 =	vmin.u32 v10, v7;
	v10 =	vsub.s32 v9, v6;
	vm0 =	vgt.s32 v9, v6  }
0x68: {  	v6 =	vsub.s32 $0x0, v10;
	vm1 =	vlt.s32 v7, $0x16;
	v9 =	vsel vm0, $0x5, v3  }
.Ltmp1:
0x69: {  	vm0 =	vgt.s32 v7, $0x18;
	v6 =	vmin.u32 v10, v6;
	v8 =	vnsel vm1, $0x1, v8;
	(pc) =	sbr.rel @p0 .LBB2_5-.Ltmp1, $4  }
0x6a: {  	v7 =	vmov s30;
	v8 =	vsel vm0, v11, v8;
	vm0 =	vgt.s32 v6, $0x2  }
0x6b: {  	v6 =	vshll.u32 v7, $0x4;
	v9 =	vsel vm0, v9, v8  }
0x6c: {  	v7 =	vor.u32 v1, v6  }
0x6d: {  	v8 =	vor.u32 $0x1, v7;
	v6 =	vor.u32 $0x2, v7;
	v10 =	vor.u32 $0x3, v7  }
0x6e: {  	_ =	sdelay $0x3  }
0x6f: {  	[tilespmem:v9+s20+$0x0] =	vst.idx.msk $0xffff, v5  }
0x70: {  	v7 =	vld.idx.msk [tilespmem:v7+s16+$0x0], $0xffff  }
0x71: {  	v8 =	vld.idx.msk [tilespmem:v8+s16+$0x0], $0xffff  }
0x72: {  	v9 =	vld.idx.msk [tilespmem:v10+s16+$0x0], $0xffff  }
0x73: {  	v6 =	vld.idx.msk [tilespmem:v6+s16+$0x0], $0xffff;
	_ =	sdelay $0x3  }
0x74: {  	v10 =	vsub.s32 v8, v7  }
0x75: {  	vm0 =	vgt.s32 v8, v7;
	vm8 =	vgt.s32 v9, v6;
	v7 =	vsub.s32 $0x0, v10  }
0x76: {  	v8 =	vsel vm0, $0x4, v4;
	v7 =	vmin.u32 v10, v7;
	v10 =	vsub.s32 v9, v6  }
0x77: {  	v11 =	vsel vm0, $0x3, v2;
	v6 =	vsub.s32 $0x0, v10;
	vm1 =	vlt.s32 v7, $0x16  }
0x78: {  	vm9 =	vgt.s32 v7, $0x18;
	v6 =	vmin.u32 v10, v6;
	v8 =	vnsel vm1, $0x1, v8  }
0x79: {  	v7 =	vsel vm8, $0x5, v3;
	v8 =	vsel vm9, v11, v8;
	vm10 =	vgt.s32 v6, $0x2  }
0x7a: {  	v6 =	vsel vm10, v7, v8;
	_ =	sdelay $0x1  }
0x7b: {  	s29 =	sadd.s32 s28, s9;
	s30 =	simm.s32 $0x0  }
0x7c: {  	s29 =	sshll.u32 s29, $0x4;
	v7 =	vmov s30  }
0x7d: {  	s29 =	sand.u32 $0x1FFFD000, s29;
	v7 =	vshll.u32 v7, $0x4  }
0x7e: {  	s29 =	sadd.s32 s29, s3;
	[tilespmem:v6+s20+$0x0] =	vst.idx.msk $0xffff, v5;
	v6 =	vor.u32 v1, v7  }
0x7f: {  	[tilespmem:s16], [sflag:$0x2] =	stream.strided.gather [hbm4b:s29+s14], $0x1000, s15, s14, $0x38;
	v7 =	vor.u32 $0x1, v6;
	[tilespmem:$0x4010] =	vst v63  }
0x80: {  	v8 =	vor.u32 $0x3, v6;
	_ =	swait.ge [sflag:s22], $0x1000  }
0x81: {  	v9 =	vor.u32 $0x2, v6;
	[sflag:s22] =	ssyncset.done $0x0  }
0x82: {  	[sflag:s22] =	ssyncadd.s32 $0xFFFFF000  }
0x83: {  	v6 =	vld.idx.msk [tilespmem:v6+s17+$0x0], $0xffff  }
0x84: {  	v7 =	vld.idx.msk [tilespmem:v7+s17+$0x0], $0xffff  }
0x85: {  	v8 =	vld.idx.msk [tilespmem:v8+s17+$0x0], $0xffff  }
0x86: {  	v9 =	vld.idx.msk [tilespmem:v9+s17+$0x0], $0xffff;
	_ =	sdelay $0x3  }
0x87: {  	v10 =	vsub.s32 v7, v6;
	vm11 =	vgt.s32 v7, v6  }
0x88: {  	vm12 =	vgt.s32 v8, v9;
	v6 =	vsub.s32 $0x0, v10;
	v7 =	vsel vm11, $0x4, v4  }
0x89: {  	v11 =	vsel vm11, $0x3, v2;
	v6 =	vmin.u32 v10, v6;
	v10 =	vsub.s32 v8, v9  }
0x8a: {  	v9 =	vsel vm12, $0x5, v3;
	v8 =	vsub.s32 $0x0, v10;
	vm13 =	vlt.s32 v6, $0x16  }
0x8b: {  	s29 =	simm.s32 $0x10;
	vm14 =	vgt.s32 v6, $0x18;
	v8 =	vmin.u32 v10, v8;
	v7 =	vnsel vm13, $0x1, v7  }
0x8c: {  	v6 =	vmov s29;
	v7 =	vsel vm14, v11, v7;
	vm15 =	vgt.s32 v8, $0x2  }
0x8d: {  	v6 =	vshll.u32 v6, $0x4;
	v9 =	vsel vm15, v9, v7  }
0x8e: {  	v7 =	vor.u32 v1, v6  }
0x8f: {  	s29 =	simm.s32 $0x20;
	v8 =	vor.u32 $0x1, v7;
	v6 =	vor.u32 $0x2, v7;
	v10 =	vor.u32 $0x3, v7  }
.LBB2_7:
0x90: {  	_ =	sdelay $0x1  }
0x91: {  	p0 =	sne.s32 s29, $0xF0;
	[tilespmem:v9+s20+$0x0] =	vst.idx.msk $0xffff, v5;
	s30 =	smov.u32 s29;
	s29 =	sadd.s32 $0x10, s29  }
0x92: {  	v7 =	vld.idx.msk [tilespmem:v7+s17+$0x0], $0xffff  }
0x93: {  	v8 =	vld.idx.msk [tilespmem:v8+s17+$0x0], $0xffff  }
0x94: {  	v9 =	vld.idx.msk [tilespmem:v10+s17+$0x0], $0xffff  }
0x95: {  	v6 =	vld.idx.msk [tilespmem:v6+s17+$0x0], $0xffff;
	_ =	sdelay $0x3  }
0x96: {  	v10 =	vsub.s32 v8, v7;
	vm0 =	vgt.s32 v8, v7  }
0x97: {  	v7 =	vsub.s32 $0x0, v10;
	v8 =	vsel vm0, $0x4, v4;
	v11 =	vsel vm0, $0x3, v2  }
0x98: {  	v7 =	vmin.u32 v10, v7;
	v10 =	vsub.s32 v9, v6;
	vm0 =	vgt.s32 v9, v6  }
0x99: {  	v6 =	vsub.s32 $0x0, v10;
	vm1 =	vlt.s32 v7, $0x16;
	v9 =	vsel vm0, $0x5, v3  }
.Ltmp2:
0x9a: {  	vm0 =	vgt.s32 v7, $0x18;
	v6 =	vmin.u32 v10, v6;
	v8 =	vnsel vm1, $0x1, v8;
	(pc) =	sbr.rel @p0 .LBB2_7-.Ltmp2, $4  }
0x9b: {  	v7 =	vmov s30;
	v8 =	vsel vm0, v11, v8;
	vm0 =	vgt.s32 v6, $0x2  }
0x9c: {  	v6 =	vshll.u32 v7, $0x4;
	v9 =	vsel vm0, v9, v8  }
0x9d: {  	v7 =	vor.u32 v1, v6  }
0x9e: {  	v8 =	vor.u32 $0x1, v7;
	v6 =	vor.u32 $0x2, v7;
	v10 =	vor.u32 $0x3, v7  }
0x9f: {  	_ =	sdelay $0x3  }
0xa0: {  	[tilespmem:v9+s20+$0x0] =	vst.idx.msk $0xffff, v5  }
0xa1: {  	v7 =	vld.idx.msk [tilespmem:v7+s17+$0x0], $0xffff  }
0xa2: {  	v8 =	vld.idx.msk [tilespmem:v8+s17+$0x0], $0xffff  }
0xa3: {  	v9 =	vld.idx.msk [tilespmem:v10+s17+$0x0], $0xffff  }
0xa4: {  	v6 =	vld.idx.msk [tilespmem:v6+s17+$0x0], $0xffff;
	_ =	sdelay $0x3  }
0xa5: {  	v10 =	vsub.s32 v8, v7  }
0xa6: {  	vm0 =	vgt.s32 v8, v7;
	vm8 =	vgt.s32 v9, v6;
	v7 =	vsub.s32 $0x0, v10  }
0xa7: {  	v8 =	vsel vm0, $0x4, v4;
	v7 =	vmin.u32 v10, v7;
	v10 =	vsub.s32 v9, v6  }
0xa8: {  	v11 =	vsel vm0, $0x3, v2;
	v6 =	vsub.s32 $0x0, v10;
	vm1 =	vlt.s32 v7, $0x16  }
0xa9: {  	vm9 =	vgt.s32 v7, $0x18;
	v6 =	vmin.u32 v10, v6;
	v8 =	vnsel vm1, $0x1, v8  }
0xaa: {  	v7 =	vsel vm8, $0x5, v3;
	v8 =	vsel vm9, v11, v8;
	vm10 =	vgt.s32 v6, $0x2  }
0xab: {  	v6 =	vsel vm10, v7, v8;
	_ =	sdelay $0x1  }
0xac: {  	s29 =	sadd.s32 s28, s10;
	s30 =	simm.s32 $0x0  }
0xad: {  	s29 =	sshll.u32 s29, $0x4;
	v7 =	vmov s30  }
0xae: {  	s29 =	sand.u32 $0x1FFFE000, s29;
	v7 =	vshll.u32 v7, $0x4  }
0xaf: {  	s29 =	sadd.s32 s29, s3;
	[tilespmem:v6+s20+$0x0] =	vst.idx.msk $0xffff, v5;
	v6 =	vor.u32 v1, v7  }
0xb0: {  	[tilespmem:s17], [sflag:$0x3] =	stream.strided.gather [hbm4b:s29+s14], $0x1000, s15, s14, $0x38;
	v7 =	vor.u32 $0x1, v6;
	[tilespmem:$0x4010] =	vst v63  }
0xb1: {  	v8 =	vor.u32 $0x3, v6;
	_ =	swait.ge [sflag:s23], $0x1000  }
0xb2: {  	v9 =	vor.u32 $0x2, v6;
	[sflag:s23] =	ssyncset.done $0x0  }
0xb3: {  	[sflag:s23] =	ssyncadd.s32 $0xFFFFF000  }
0xb4: {  	v6 =	vld.idx.msk [tilespmem:v6+s18+$0x0], $0xffff  }
0xb5: {  	v7 =	vld.idx.msk [tilespmem:v7+s18+$0x0], $0xffff  }
0xb6: {  	v8 =	vld.idx.msk [tilespmem:v8+s18+$0x0], $0xffff  }
0xb7: {  	v9 =	vld.idx.msk [tilespmem:v9+s18+$0x0], $0xffff;
	_ =	sdelay $0x3  }
0xb8: {  	v10 =	vsub.s32 v7, v6;
	vm11 =	vgt.s32 v7, v6  }
0xb9: {  	vm12 =	vgt.s32 v8, v9;
	v6 =	vsub.s32 $0x0, v10;
	v7 =	vsel vm11, $0x4, v4  }
0xba: {  	v11 =	vsel vm11, $0x3, v2;
	v6 =	vmin.u32 v10, v6;
	v10 =	vsub.s32 v8, v9  }
0xbb: {  	v9 =	vsel vm12, $0x5, v3;
	v8 =	vsub.s32 $0x0, v10;
	vm13 =	vlt.s32 v6, $0x16  }
0xbc: {  	s29 =	simm.s32 $0x10;
	vm14 =	vgt.s32 v6, $0x18;
	v8 =	vmin.u32 v10, v8;
	v7 =	vnsel vm13, $0x1, v7  }
0xbd: {  	v6 =	vmov s29;
	v7 =	vsel vm14, v11, v7;
	vm15 =	vgt.s32 v8, $0x2  }
0xbe: {  	v6 =	vshll.u32 v6, $0x4;
	v9 =	vsel vm15, v9, v7  }
0xbf: {  	v7 =	vor.u32 v1, v6  }
0xc0: {  	s29 =	simm.s32 $0x20;
	v8 =	vor.u32 $0x1, v7;
	v6 =	vor.u32 $0x2, v7;
	v10 =	vor.u32 $0x3, v7  }
.LBB2_9:
0xc1: {  	_ =	sdelay $0x1  }
0xc2: {  	p0 =	sne.s32 s29, $0xF0;
	[tilespmem:v9+s20+$0x0] =	vst.idx.msk $0xffff, v5;
	s30 =	smov.u32 s29;
	s29 =	sadd.s32 $0x10, s29  }
0xc3: {  	v7 =	vld.idx.msk [tilespmem:v7+s18+$0x0], $0xffff  }
0xc4: {  	v8 =	vld.idx.msk [tilespmem:v8+s18+$0x0], $0xffff  }
0xc5: {  	v9 =	vld.idx.msk [tilespmem:v10+s18+$0x0], $0xffff  }
0xc6: {  	v6 =	vld.idx.msk [tilespmem:v6+s18+$0x0], $0xffff;
	_ =	sdelay $0x3  }
0xc7: {  	v10 =	vsub.s32 v8, v7;
	vm0 =	vgt.s32 v8, v7  }
0xc8: {  	v7 =	vsub.s32 $0x0, v10;
	v8 =	vsel vm0, $0x4, v4;
	v11 =	vsel vm0, $0x3, v2  }
0xc9: {  	v7 =	vmin.u32 v10, v7;
	v10 =	vsub.s32 v9, v6;
	vm0 =	vgt.s32 v9, v6  }
0xca: {  	v6 =	vsub.s32 $0x0, v10;
	vm1 =	vlt.s32 v7, $0x16;
	v9 =	vsel vm0, $0x5, v3  }
.Ltmp3:
0xcb: {  	vm0 =	vgt.s32 v7, $0x18;
	v6 =	vmin.u32 v10, v6;
	v8 =	vnsel vm1, $0x1, v8;
	(pc) =	sbr.rel @p0 .LBB2_9-.Ltmp3, $4  }
0xcc: {  	v7 =	vmov s30;
	v8 =	vsel vm0, v11, v8;
	vm0 =	vgt.s32 v6, $0x2  }
0xcd: {  	v6 =	vshll.u32 v7, $0x4;
	v9 =	vsel vm0, v9, v8  }
0xce: {  	v7 =	vor.u32 v1, v6  }
0xcf: {  	v8 =	vor.u32 $0x1, v7;
	v6 =	vor.u32 $0x2, v7;
	v10 =	vor.u32 $0x3, v7  }
0xd0: {  	_ =	sdelay $0x3  }
0xd1: {  	[tilespmem:v9+s20+$0x0] =	vst.idx.msk $0xffff, v5  }
0xd2: {  	v7 =	vld.idx.msk [tilespmem:v7+s18+$0x0], $0xffff  }
0xd3: {  	v8 =	vld.idx.msk [tilespmem:v8+s18+$0x0], $0xffff  }
0xd4: {  	v9 =	vld.idx.msk [tilespmem:v10+s18+$0x0], $0xffff  }
0xd5: {  	v6 =	vld.idx.msk [tilespmem:v6+s18+$0x0], $0xffff;
	_ =	sdelay $0x3  }
0xd6: {  	v62 =	vsub.s32 v8, v7  }
0xd7: {  	vm0 =	vgt.s32 v8, v7;
	v63 =	vsub.s32 v9, v6;
	v7 =	vsub.s32 $0x0, v62  }
0xd8: {  	vm13 =	vgt.s32 v9, v6;
	v8 =	vsel vm0, $0x4, v4;
	v7 =	vmin.u32 v62, v7  }
0xd9: {  	v11 =	vsel vm0, $0x3, v2;
	v6 =	vsub.s32 $0x0, v63;
	vm1 =	vlt.s32 v7, $0x16  }
0xda: {  	v6 =	vmin.u32 v63, v6;
	vm14 =	vgt.s32 v7, $0x18;
	v8 =	vnsel vm1, $0x1, v8  }
0xdb: {  	v7 =	vsel vm13, $0x5, v3;
	vm15 =	vgt.s32 v6, $0x2;
	v8 =	vsel vm14, v11, v8  }
0xdc: {  	s26 =	sadd.s32 $0x1, s26;
	v6 =	vsel vm15, v7, v8  }
0xdd: {  	p0 =	sne.s32 s26, $0x7  }
.Ltmp4:
0xde: {  	s28 =	sadd.s32 s28, s11;
	(pc) =	sbr.rel @p0 .LBB2_2-.Ltmp4, $4  }
0xdf: {  	s28 =	sshll.u32 s28, $0x4  }
0xe0: {  	s28 =	sand.u32 $0x1FFFF000, s28  }
0xe1: {  	s28 =	sadd.s32 s28, s3;
	[tilespmem:v6+s20+$0x0] =	vst.idx.msk $0xffff, v5  }
0xe2: {  	[tilespmem:s18], [sflag:$0x4] =	stream.strided.gather [hbm4b:s28+s14], $0x1000, s15, s14, $0x38;
	[tilespmem:$0x4010] =	vst v63  }
0xe3: {  	s26 =	simm.s32 $0x0  }
0xe4: {  	v6 =	vmov s26  }
0xe5: {  	v6 =	vshll.u32 v6, $0x4  }
0xe6: {  	v6 =	vor.u32 v1, v6  }
0xe7: {  	v7 =	vor.u32 $0x1, v6  }
0xe8: {  	_ =	swait.ge [sflag:s19], $0x1000;
	v8 =	vor.u32 $0x3, v6  }
0xe9: {  	[sflag:s19] =	ssyncset.done $0x0;
	v9 =	vor.u32 $0x2, v6  }
0xea: {  	[sflag:s19] =	ssyncadd.s32 $0xFFFFF000  }
0xeb: {  	v6 =	vld.idx.msk [tilespmem:v6+s2+$0x0], $0xffff  }
0xec: {  	v7 =	vld.idx.msk [tilespmem:v7+s2+$0x0], $0xffff  }
0xed: {  	v8 =	vld.idx.msk [tilespmem:v8+s2+$0x0], $0xffff  }
0xee: {  	v9 =	vld.idx.msk [tilespmem:v9+s2+$0x0], $0xffff;
	_ =	sdelay $0x3  }
0xef: {  	v10 =	vsub.s32 v7, v6;
	vm0 =	vgt.s32 v7, v6  }
0xf0: {  	vm13 =	vgt.s32 v8, v9;
	v6 =	vsub.s32 $0x0, v10;
	v7 =	vsel vm0, $0x4, v4  }
0xf1: {  	v11 =	vsel vm0, $0x3, v2;
	v6 =	vmin.u32 v10, v6;
	v10 =	vsub.s32 v8, v9  }
0xf2: {  	v9 =	vsel vm13, $0x5, v3;
	v8 =	vsub.s32 $0x0, v10;
	vm1 =	vlt.s32 v6, $0x16  }
0xf3: {  	s31 =	simm.s32 $0x10;
	vm14 =	vgt.s32 v6, $0x18;
	v8 =	vmin.u32 v10, v8;
	v7 =	vnsel vm1, $0x1, v7  }
0xf4: {  	v6 =	vmov s31;
	v7 =	vsel vm14, v11, v7;
	vm15 =	vgt.s32 v8, $0x2  }
0xf5: {  	v6 =	vshll.u32 v6, $0x4;
	v9 =	vsel vm15, v9, v7  }
0xf6: {  	v7 =	vor.u32 v1, v6  }
0xf7: {  	s26 =	simm.s32 $0x20;
	v8 =	vor.u32 $0x1, v7;
	v6 =	vor.u32 $0x2, v7;
	v10 =	vor.u32 $0x3, v7  }
.LBB2_12:
0xf8: {  	_ =	sdelay $0x1  }
0xf9: {  	p0 =	sne.s32 s26, $0xF0;
	[tilespmem:v9+s20+$0x0] =	vst.idx.msk $0xffff, v5;
	s28 =	smov.u32 s26;
	s26 =	sadd.s32 $0x10, s26  }
0xfa: {  	v7 =	vld.idx.msk [tilespmem:v7+s2+$0x0], $0xffff  }
0xfb: {  	v8 =	vld.idx.msk [tilespmem:v8+s2+$0x0], $0xffff  }
0xfc: {  	v9 =	vld.idx.msk [tilespmem:v10+s2+$0x0], $0xffff  }
0xfd: {  	v6 =	vld.idx.msk [tilespmem:v6+s2+$0x0], $0xffff;
	_ =	sdelay $0x3  }
0xfe: {  	v10 =	vsub.s32 v8, v7;
	vm0 =	vgt.s32 v8, v7  }
0xff: {  	v7 =	vsub.s32 $0x0, v10;
	v8 =	vsel vm0, $0x4, v4;
	v11 =	vsel vm0, $0x3, v2  }
0x100: {  	v7 =	vmin.u32 v10, v7;
	v10 =	vsub.s32 v9, v6;
	vm0 =	vgt.s32 v9, v6  }
0x101: {  	v6 =	vsub.s32 $0x0, v10;
	vm1 =	vlt.s32 v7, $0x16;
	v9 =	vsel vm0, $0x5, v3  }
.Ltmp5:
0x102: {  	vm0 =	vgt.s32 v7, $0x18;
	v6 =	vmin.u32 v10, v6;
	v8 =	vnsel vm1, $0x1, v8;
	(pc) =	sbr.rel @p0 .LBB2_12-.Ltmp5, $4  }
0x103: {  	v7 =	vmov s28;
	v8 =	vsel vm0, v11, v8;
	vm0 =	vgt.s32 v6, $0x2  }
0x104: {  	v6 =	vshll.u32 v7, $0x4;
	v9 =	vsel vm0, v9, v8  }
0x105: {  	v7 =	vor.u32 v1, v6  }
0x106: {  	v8 =	vor.u32 $0x1, v7;
	v6 =	vor.u32 $0x2, v7;
	v10 =	vor.u32 $0x3, v7  }
0x107: {  	_ =	sdelay $0x3  }
0x108: {  	[tilespmem:v9+s20+$0x0] =	vst.idx.msk $0xffff, v5  }
0x109: {  	v7 =	vld.idx.msk [tilespmem:v7+s2+$0x0], $0xffff  }
0x10a: {  	v8 =	vld.idx.msk [tilespmem:v8+s2+$0x0], $0xffff  }
0x10b: {  	v9 =	vld.idx.msk [tilespmem:v10+s2+$0x0], $0xffff  }
0x10c: {  	v6 =	vld.idx.msk [tilespmem:v6+s2+$0x0], $0xffff;
	_ =	sdelay $0x3  }
0x10d: {  	v10 =	vsub.s32 v8, v7  }
0x10e: {  	vm0 =	vgt.s32 v8, v7;
	vm8 =	vgt.s32 v9, v6;
	v7 =	vsub.s32 $0x0, v10  }
0x10f: {  	v8 =	vsel vm0, $0x4, v4;
	v7 =	vmin.u32 v10, v7;
	v10 =	vsub.s32 v9, v6  }
0x110: {  	v11 =	vsel vm0, $0x3, v2;
	v6 =	vsub.s32 $0x0, v10;
	vm1 =	vlt.s32 v7, $0x16  }
0x111: {  	vm9 =	vgt.s32 v7, $0x18;
	v6 =	vmin.u32 v10, v6;
	v8 =	vnsel vm1, $0x1, v8  }
0x112: {  	v7 =	vsel vm8, $0x5, v3;
	v8 =	vsel vm9, v11, v8;
	vm10 =	vgt.s32 v6, $0x2  }
0x113: {  	v6 =	vsel vm10, v7, v8  }
0x114: {  	s26 =	simm.s32 $0x0  }
0x115: {  	v7 =	vmov s26  }
0x116: {  	v7 =	vshll.u32 v7, $0x4  }
0x117: {  	v7 =	vor.u32 v1, v7  }
0x118: {  	v8 =	vor.u32 $0x3, v7;
	[tilespmem:v6+s20+$0x0] =	vst.idx.msk $0xffff, v5  }
0x119: {  	v6 =	vor.u32 $0x1, v7;
	_ =	swait.ge [sflag:s21], $0x1000  }
0x11a: {  	v9 =	vor.u32 $0x2, v7;
	[sflag:s21] =	ssyncset.done $0x0  }
0x11b: {  	[sflag:s21] =	ssyncadd.s32 $0xFFFFF000  }
0x11c: {  	v7 =	vld.idx.msk [tilespmem:v7+s16+$0x0], $0xffff  }
0x11d: {  	v8 =	vld.idx.msk [tilespmem:v8+s16+$0x0], $0xffff  }
0x11e: {  	v6 =	vld.idx.msk [tilespmem:v6+s16+$0x0], $0xffff  }
0x11f: {  	v9 =	vld.idx.msk [tilespmem:v9+s16+$0x0], $0xffff;
	_ =	sdelay $0x3  }
0x120: {  	v10 =	vsub.s32 v6, v7;
	vm11 =	vgt.s32 v6, v7  }
0x121: {  	vm12 =	vgt.s32 v8, v9;
	v6 =	vsub.s32 $0x0, v10;
	v7 =	vsel vm11, $0x4, v4  }
0x122: {  	v11 =	vsel vm11, $0x3, v2;
	v6 =	vmin.u32 v10, v6;
	v10 =	vsub.s32 v8, v9  }
0x123: {  	v9 =	vsel vm12, $0x5, v3;
	v8 =	vsub.s32 $0x0, v10;
	vm13 =	vlt.s32 v6, $0x16  }
0x124: {  	s31 =	simm.s32 $0x10;
	vm14 =	vgt.s32 v6, $0x18;
	v8 =	vmin.u32 v10, v8;
	v7 =	vnsel vm13, $0x1, v7  }
0x125: {  	v6 =	vmov s31;
	v7 =	vsel vm14, v11, v7;
	vm15 =	vgt.s32 v8, $0x2  }
0x126: {  	v6 =	vshll.u32 v6, $0x4;
	v9 =	vsel vm15, v9, v7  }
0x127: {  	v7 =	vor.u32 v1, v6  }
0x128: {  	s26 =	simm.s32 $0x20;
	v8 =	vor.u32 $0x1, v7;
	v6 =	vor.u32 $0x2, v7;
	v10 =	vor.u32 $0x3, v7  }
.LBB2_14:
0x129: {  	_ =	sdelay $0x1  }
0x12a: {  	p0 =	sne.s32 s26, $0xF0;
	[tilespmem:v9+s20+$0x0] =	vst.idx.msk $0xffff, v5;
	s28 =	smov.u32 s26;
	s26 =	sadd.s32 $0x10, s26  }
0x12b: {  	v7 =	vld.idx.msk [tilespmem:v7+s16+$0x0], $0xffff  }
0x12c: {  	v8 =	vld.idx.msk [tilespmem:v8+s16+$0x0], $0xffff  }
0x12d: {  	v9 =	vld.idx.msk [tilespmem:v10+s16+$0x0], $0xffff  }
0x12e: {  	v6 =	vld.idx.msk [tilespmem:v6+s16+$0x0], $0xffff;
	_ =	sdelay $0x3  }
0x12f: {  	v10 =	vsub.s32 v8, v7;
	vm0 =	vgt.s32 v8, v7  }
0x130: {  	v7 =	vsub.s32 $0x0, v10;
	v8 =	vsel vm0, $0x4, v4;
	v11 =	vsel vm0, $0x3, v2  }
0x131: {  	v7 =	vmin.u32 v10, v7;
	v10 =	vsub.s32 v9, v6;
	vm0 =	vgt.s32 v9, v6  }
0x132: {  	v6 =	vsub.s32 $0x0, v10;
	vm1 =	vlt.s32 v7, $0x16;
	v9 =	vsel vm0, $0x5, v3  }
.Ltmp6:
0x133: {  	vm0 =	vgt.s32 v7, $0x18;
	v6 =	vmin.u32 v10, v6;
	v8 =	vnsel vm1, $0x1, v8;
	(pc) =	sbr.rel @p0 .LBB2_14-.Ltmp6, $4  }
0x134: {  	v7 =	vmov s28;
	v8 =	vsel vm0, v11, v8;
	vm0 =	vgt.s32 v6, $0x2  }
0x135: {  	v6 =	vshll.u32 v7, $0x4;
	v9 =	vsel vm0, v9, v8  }
0x136: {  	v7 =	vor.u32 v1, v6  }
0x137: {  	v8 =	vor.u32 $0x1, v7;
	v6 =	vor.u32 $0x2, v7;
	v10 =	vor.u32 $0x3, v7  }
0x138: {  	_ =	sdelay $0x3  }
0x139: {  	[tilespmem:v9+s20+$0x0] =	vst.idx.msk $0xffff, v5  }
0x13a: {  	v7 =	vld.idx.msk [tilespmem:v7+s16+$0x0], $0xffff  }
0x13b: {  	v8 =	vld.idx.msk [tilespmem:v8+s16+$0x0], $0xffff  }
0x13c: {  	v9 =	vld.idx.msk [tilespmem:v10+s16+$0x0], $0xffff  }
0x13d: {  	v6 =	vld.idx.msk [tilespmem:v6+s16+$0x0], $0xffff;
	_ =	sdelay $0x3  }
0x13e: {  	v10 =	vsub.s32 v8, v7  }
0x13f: {  	vm0 =	vgt.s32 v8, v7;
	vm8 =	vgt.s32 v9, v6;
	v7 =	vsub.s32 $0x0, v10  }
0x140: {  	v8 =	vsel vm0, $0x4, v4;
	v7 =	vmin.u32 v10, v7;
	v10 =	vsub.s32 v9, v6  }
0x141: {  	v11 =	vsel vm0, $0x3, v2;
	v6 =	vsub.s32 $0x0, v10;
	vm1 =	vlt.s32 v7, $0x16  }
0x142: {  	vm9 =	vgt.s32 v7, $0x18;
	v6 =	vmin.u32 v10, v6;
	v8 =	vnsel vm1, $0x1, v8  }
0x143: {  	v7 =	vsel vm8, $0x5, v3;
	v8 =	vsel vm9, v11, v8;
	vm10 =	vgt.s32 v6, $0x2  }
0x144: {  	v6 =	vsel vm10, v7, v8  }
0x145: {  	s26 =	simm.s32 $0x0  }
0x146: {  	v7 =	vmov s26  }
0x147: {  	v7 =	vshll.u32 v7, $0x4  }
0x148: {  	v7 =	vor.u32 v1, v7  }
0x149: {  	v8 =	vor.u32 $0x3, v7;
	[tilespmem:v6+s20+$0x0] =	vst.idx.msk $0xffff, v5  }
0x14a: {  	v6 =	vor.u32 $0x1, v7;
	_ =	swait.ge [sflag:s22], $0x1000  }
0x14b: {  	v9 =	vor.u32 $0x2, v7;
	[sflag:s22] =	ssyncset.done $0x0  }
0x14c: {  	[sflag:s22] =	ssyncadd.s32 $0xFFFFF000  }
0x14d: {  	v7 =	vld.idx.msk [tilespmem:v7+s17+$0x0], $0xffff  }
0x14e: {  	v8 =	vld.idx.msk [tilespmem:v8+s17+$0x0], $0xffff  }
0x14f: {  	v6 =	vld.idx.msk [tilespmem:v6+s17+$0x0], $0xffff  }
0x150: {  	v9 =	vld.idx.msk [tilespmem:v9+s17+$0x0], $0xffff;
	_ =	sdelay $0x3  }
0x151: {  	v10 =	vsub.s32 v6, v7;
	vm11 =	vgt.s32 v6, v7  }
0x152: {  	vm12 =	vgt.s32 v8, v9;
	v6 =	vsub.s32 $0x0, v10;
	v7 =	vsel vm11, $0x4, v4  }
0x153: {  	v11 =	vsel vm11, $0x3, v2;
	v6 =	vmin.u32 v10, v6;
	v10 =	vsub.s32 v8, v9  }
0x154: {  	v9 =	vsel vm12, $0x5, v3;
	v8 =	vsub.s32 $0x0, v10;
	vm13 =	vlt.s32 v6, $0x16  }
0x155: {  	s31 =	simm.s32 $0x10;
	vm14 =	vgt.s32 v6, $0x18;
	v8 =	vmin.u32 v10, v8;
	v7 =	vnsel vm13, $0x1, v7  }
0x156: {  	v6 =	vmov s31;
	v7 =	vsel vm14, v11, v7;
	vm15 =	vgt.s32 v8, $0x2  }
0x157: {  	v6 =	vshll.u32 v6, $0x4;
	v9 =	vsel vm15, v9, v7  }
0x158: {  	v7 =	vor.u32 v1, v6  }
0x159: {  	s26 =	simm.s32 $0x20;
	v8 =	vor.u32 $0x1, v7;
	v6 =	vor.u32 $0x2, v7;
	v10 =	vor.u32 $0x3, v7  }
.LBB2_16:
0x15a: {  	_ =	sdelay $0x1  }
0x15b: {  	p0 =	sne.s32 s26, $0xF0;
	[tilespmem:v9+s20+$0x0] =	vst.idx.msk $0xffff, v5;
	s28 =	smov.u32 s26;
	s26 =	sadd.s32 $0x10, s26  }
0x15c: {  	v7 =	vld.idx.msk [tilespmem:v7+s17+$0x0], $0xffff  }
0x15d: {  	v8 =	vld.idx.msk [tilespmem:v8+s17+$0x0], $0xffff  }
0x15e: {  	v9 =	vld.idx.msk [tilespmem:v10+s17+$0x0], $0xffff  }
0x15f: {  	v6 =	vld.idx.msk [tilespmem:v6+s17+$0x0], $0xffff;
	_ =	sdelay $0x3  }
0x160: {  	v10 =	vsub.s32 v8, v7;
	vm0 =	vgt.s32 v8, v7  }
0x161: {  	v7 =	vsub.s32 $0x0, v10;
	v8 =	vsel vm0, $0x4, v4;
	v11 =	vsel vm0, $0x3, v2  }
0x162: {  	v7 =	vmin.u32 v10, v7;
	v10 =	vsub.s32 v9, v6;
	vm0 =	vgt.s32 v9, v6  }
0x163: {  	v6 =	vsub.s32 $0x0, v10;
	vm1 =	vlt.s32 v7, $0x16;
	v9 =	vsel vm0, $0x5, v3  }
.Ltmp7:
0x164: {  	vm0 =	vgt.s32 v7, $0x18;
	v6 =	vmin.u32 v10, v6;
	v8 =	vnsel vm1, $0x1, v8;
	(pc) =	sbr.rel @p0 .LBB2_16-.Ltmp7, $4  }
0x165: {  	v7 =	vmov s28;
	v8 =	vsel vm0, v11, v8;
	vm0 =	vgt.s32 v6, $0x2  }
0x166: {  	v6 =	vshll.u32 v7, $0x4;
	v9 =	vsel vm0, v9, v8  }
0x167: {  	v7 =	vor.u32 v1, v6  }
0x168: {  	v8 =	vor.u32 $0x1, v7;
	v6 =	vor.u32 $0x2, v7;
	v10 =	vor.u32 $0x3, v7  }
0x169: {  	_ =	sdelay $0x3  }
0x16a: {  	[tilespmem:v9+s20+$0x0] =	vst.idx.msk $0xffff, v5  }
0x16b: {  	v7 =	vld.idx.msk [tilespmem:v7+s17+$0x0], $0xffff  }
0x16c: {  	v8 =	vld.idx.msk [tilespmem:v8+s17+$0x0], $0xffff  }
0x16d: {  	v9 =	vld.idx.msk [tilespmem:v10+s17+$0x0], $0xffff  }
0x16e: {  	v6 =	vld.idx.msk [tilespmem:v6+s17+$0x0], $0xffff;
	_ =	sdelay $0x3  }
0x16f: {  	v10 =	vsub.s32 v8, v7  }
0x170: {  	vm0 =	vgt.s32 v8, v7;
	vm8 =	vgt.s32 v9, v6;
	v7 =	vsub.s32 $0x0, v10  }
0x171: {  	v8 =	vsel vm0, $0x4, v4;
	v7 =	vmin.u32 v10, v7;
	v10 =	vsub.s32 v9, v6  }
0x172: {  	v11 =	vsel vm0, $0x3, v2;
	v6 =	vsub.s32 $0x0, v10;
	vm1 =	vlt.s32 v7, $0x16  }
0x173: {  	vm9 =	vgt.s32 v7, $0x18;
	v6 =	vmin.u32 v10, v6;
	v8 =	vnsel vm1, $0x1, v8  }
0x174: {  	v7 =	vsel vm8, $0x5, v3;
	v8 =	vsel vm9, v11, v8;
	vm10 =	vgt.s32 v6, $0x2  }
0x175: {  	v6 =	vsel vm10, v7, v8  }
0x176: {  	s26 =	simm.s32 $0x0  }
0x177: {  	v7 =	vmov s26  }
0x178: {  	v7 =	vshll.u32 v7, $0x4  }
0x179: {  	v7 =	vor.u32 v1, v7  }
0x17a: {  	v8 =	vor.u32 $0x3, v7;
	[tilespmem:v6+s20+$0x0] =	vst.idx.msk $0xffff, v5  }
0x17b: {  	v6 =	vor.u32 $0x1, v7;
	_ =	swait.ge [sflag:s23], $0x1000  }
0x17c: {  	v9 =	vor.u32 $0x2, v7;
	[sflag:s23] =	ssyncset.done $0x0  }
0x17d: {  	[sflag:s23] =	ssyncadd.s32 $0xFFFFF000  }
0x17e: {  	v7 =	vld.idx.msk [tilespmem:v7+s18+$0x0], $0xffff  }
0x17f: {  	v8 =	vld.idx.msk [tilespmem:v8+s18+$0x0], $0xffff  }
0x180: {  	v6 =	vld.idx.msk [tilespmem:v6+s18+$0x0], $0xffff  }
0x181: {  	v9 =	vld.idx.msk [tilespmem:v9+s18+$0x0], $0xffff;
	_ =	sdelay $0x3  }
0x182: {  	v10 =	vsub.s32 v6, v7;
	vm11 =	vgt.s32 v6, v7  }
0x183: {  	vm12 =	vgt.s32 v8, v9;
	v6 =	vsub.s32 $0x0, v10;
	v7 =	vsel vm11, $0x4, v4  }
0x184: {  	v11 =	vsel vm11, $0x3, v2;
	v6 =	vmin.u32 v10, v6;
	v10 =	vsub.s32 v8, v9  }
0x185: {  	v9 =	vsel vm12, $0x5, v3;
	v8 =	vsub.s32 $0x0, v10;
	vm13 =	vlt.s32 v6, $0x16  }
0x186: {  	s31 =	simm.s32 $0x10;
	vm14 =	vgt.s32 v6, $0x18;
	v8 =	vmin.u32 v10, v8;
	v7 =	vnsel vm13, $0x1, v7  }
0x187: {  	v6 =	vmov s31;
	v7 =	vsel vm14, v11, v7;
	vm15 =	vgt.s32 v8, $0x2  }
0x188: {  	v6 =	vshll.u32 v6, $0x4;
	v9 =	vsel vm15, v9, v7  }
0x189: {  	v7 =	vor.u32 v1, v6  }
0x18a: {  	s26 =	simm.s32 $0x20;
	v8 =	vor.u32 $0x1, v7;
	v6 =	vor.u32 $0x2, v7;
	v10 =	vor.u32 $0x3, v7  }
.LBB2_18:
0x18b: {  	_ =	sdelay $0x1  }
0x18c: {  	p0 =	sne.s32 s26, $0xF0;
	[tilespmem:v9+s20+$0x0] =	vst.idx.msk $0xffff, v5;
	s28 =	smov.u32 s26;
	s26 =	sadd.s32 $0x10, s26  }
0x18d: {  	v7 =	vld.idx.msk [tilespmem:v7+s18+$0x0], $0xffff  }
0x18e: {  	v8 =	vld.idx.msk [tilespmem:v8+s18+$0x0], $0xffff  }
0x18f: {  	v9 =	vld.idx.msk [tilespmem:v10+s18+$0x0], $0xffff  }
0x190: {  	v6 =	vld.idx.msk [tilespmem:v6+s18+$0x0], $0xffff;
	_ =	sdelay $0x3  }
0x191: {  	v10 =	vsub.s32 v8, v7;
	vm0 =	vgt.s32 v8, v7  }
0x192: {  	v7 =	vsub.s32 $0x0, v10;
	v8 =	vsel vm0, $0x4, v4;
	v11 =	vsel vm0, $0x3, v2  }
0x193: {  	v7 =	vmin.u32 v10, v7;
	v10 =	vsub.s32 v9, v6;
	vm0 =	vgt.s32 v9, v6  }
0x194: {  	v6 =	vsub.s32 $0x0, v10;
	vm1 =	vlt.s32 v7, $0x16;
	v9 =	vsel vm0, $0x5, v3  }
.Ltmp8:
0x195: {  	vm0 =	vgt.s32 v7, $0x18;
	v6 =	vmin.u32 v10, v6;
	v8 =	vnsel vm1, $0x1, v8;
	(pc) =	sbr.rel @p0 .LBB2_18-.Ltmp8, $4  }
0x196: {  	v7 =	vmov s28;
	v8 =	vsel vm0, v11, v8;
	vm0 =	vgt.s32 v6, $0x2  }
0x197: {  	v6 =	vshll.u32 v7, $0x4;
	v9 =	vsel vm0, v9, v8  }
0x198: {  	v7 =	vor.u32 v1, v6  }
0x199: {  	v8 =	vor.u32 $0x1, v7;
	v6 =	vor.u32 $0x2, v7;
	v10 =	vor.u32 $0x3, v7  }
0x19a: {  	_ =	sdelay $0x3  }
0x19b: {  	[tilespmem:v9+s20+$0x0] =	vst.idx.msk $0xffff, v5  }
0x19c: {  	v7 =	vld.idx.msk [tilespmem:v7+s18+$0x0], $0xffff  }
0x19d: {  	v8 =	vld.idx.msk [tilespmem:v8+s18+$0x0], $0xffff  }
0x19e: {  	v9 =	vld.idx.msk [tilespmem:v10+s18+$0x0], $0xffff  }
0x19f: {  	v6 =	vld.idx.msk [tilespmem:v6+s18+$0x0], $0xffff;
	_ =	sdelay $0x3  }
0x1a0: {  	v62 =	vsub.s32 v8, v7  }
0x1a1: {  	vm0 =	vgt.s32 v8, v7;
	v63 =	vsub.s32 v9, v6;
	v7 =	vsub.s32 $0x0, v62  }
0x1a2: {  	vm13 =	vgt.s32 v9, v6;
	v8 =	vsel vm0, $0x4, v4;
	v7 =	vmin.u32 v62, v7  }
0x1a3: {  	v11 =	vsel vm0, $0x3, v2;
	v6 =	vsub.s32 $0x0, v63;
	vm1 =	vlt.s32 v7, $0x16  }
0x1a4: {  	v6 =	vmin.u32 v63, v6;
	vm14 =	vgt.s32 v7, $0x18;
	v8 =	vnsel vm1, $0x1, v8  }
0x1a5: {  	v7 =	vsel vm13, $0x5, v3;
	vm15 =	vgt.s32 v6, $0x2;
	v8 =	vsel vm14, v11, v8  }
0x1a6: {  	v6 =	vsel vm15, v7, v8;
	_ =	sdelay $0x2  }
0x1a7: {  	s25 =	sadd.s32 $0x1, s25  }
0x1a8: {  	p0 =	sne.s32 s25, s13  }
.Ltmp9:
0x1a9: {  	[tilespmem:v6+s20+$0x0] =	vst.idx.msk $0xffff, v5;
	(pc) =	sbr.rel @p0 .LBB2_1-.Ltmp9, $4  }
0x1aa: {  	[hbm4b:s12+s2] =	stream.linear.scatter [tilespmem:s20], [sflag:$0x5], $0x10, $0x38;
	[tilespmem:$0x4010] =	vst v63  }
0x1ab: {  	_ =	swait.ge [sflag:s24], $0x10  }
0x1ac: {  	[sflag:s24] =	ssyncset.done $0x0  }
0x1ad: {  	[sflag:s24] =	ssyncadd.s32 $0xFFFFFFF0  }
0x1ae: {  	_ =	sfence.sel $0x180000  }
0x1af: {  	[bflag:$0x0] =	sbarrier.arrive $0xFFFF  }
0x1b0: {  	p0 =	sne.s32 s0, $0x0;
	_ =	strace $0x90000047  }
0x1b1: {  	s0 =	sadd.s32 @!p0 $0x100000, s1;
	[bflag:$0x2] =	sbarrier.arrive $0xFFFF  }
0x1b2: {  	[sflag:s0] =	ssyncadd.tile.s32 @!p0 $0x1;
	_ =	shalt  }
.Lfunc_end2:
_tile_overlayer_lowered:
.L_overlay_start_2:
0x1b3: {  	(tag) =	ssettag $0x2  }
0x1b4: {  	s0 =	rddreg [dreg:$0x0];
	s2 =	stileid.u32  }
0x1b5: {  	s1 =	rddreg [dreg:$0x1];
	p0 =	sne.s32 s2, $0x0  }
0x1b6: {  	s3 =	rddreg [dreg:$0x2];
	[bflag:$0x3] =	sbarrier.arrive $0xFFFF;
	s2 =	simm.s32 @!p0 $0x1C05  }
0x1b7: {  	[timem:s3], [sflag:s2] =	dma.local @!p0 [hbm:s0], s1  }
0x1b8: {  	s0 =	simm.s32 @!p0 $0x5  }
0x1b9: {  	_ =	swait.ge @!p0 [sflag:s0], s1  }
0x1ba: {  	s1 =	ssub.s32 @!p0 $0x0, s1;
	[sflag:s0] =	ssyncset.done @!p0 $0x0  }
0x1bb: {  	[sflag:s0] =	ssyncadd.s32 @!p0 s1  }
0x1bc: {  	[bflag:$0x3] =	sbarrier.arrive $0xFFFF  }
0x1bd: {  	_ =	shalt  }

</sc_bundles>
